<compile_context>
chip_gen: v7x
topology: tpu7x:2x2x1
jax: 0.10.2.dev20260603
libtpu: 0.0.44.dev20260713+nightly
codegen_flags: <defaults>
</compile_context>

<pallas_src>
import functools

import jax
import jax.numpy as jnp
from jax import lax
from jax.experimental import pallas as pl
from jax.experimental.pallas import tpu as pltpu
from jax.experimental.pallas import tpu_sc as plsc

_NC = 2
_NS = 16
_NW = _NC * _NS
_L = 16

_N = 4194304
_CHUNK = 16384
_DEPTH = 2
_SC_CHUNKS = 2
_SC_N = _NW * _CHUNK * _SC_CHUNKS
_TC_COLS = 1024
_TC_ROWS = 1024


def _quant_params(a, b, c):
    f32 = jnp.float32
    bs = jnp.sort(b)
    mids = (bs[:-1] + bs[1:]) * 0.5
    q = jnp.sum(a[:, None] * jnp.tanh(c[:, None] * (mids[None, :] - b[:, None])),
                axis=0)
    s = jnp.sum(a)
    up = f32(jnp.inf)
    return jnp.concatenate([
        jnp.nextafter(bs[0:1], up), bs[1:6], jnp.nextafter(bs[6:7], up),
        jnp.full((9,), up),
        -s[None], q, s[None], jnp.zeros((8,), f32),
    ]).astype(f32)


def _sc_body(n, x_hbm, p_hbm, o_hbm, pv, *bufs_and_sems):
    per_w = n // _NW
    nchunk = per_w // _CHUNK
    wid = lax.axis_index("s") * _NC + lax.axis_index("c")
    base = wid * per_w

    ins = list(bufs_and_sems[:_DEPTH])
    outs = list(bufs_and_sems[_DEPTH:2 * _DEPTH])
    sin = list(bufs_and_sems[2 * _DEPTH:3 * _DEPTH])
    sout = list(bufs_and_sems[3 * _DEPTH:4 * _DEPTH])

    pltpu.sync_copy(p_hbm, pv)
    kv = pv[pl.ds(0, _L)]
    lv = pv[pl.ds(_L, _L)]
    k3 = jnp.full((_L,), kv[3], jnp.float32)
    i32 = jnp.int32
    zero_i = jnp.full((_L,), i32(0))
    one_i = jnp.full((_L,), i32(1))
    two_i = jnp.full((_L,), i32(2))
    four_i = jnp.full((_L,), i32(4))

    gather_dnums = lax.GatherDimensionNumbers(
        offset_dims=(), collapsed_slice_dims=(0,), start_index_map=(0,))

    def take(vec, idx):
        return lax.gather(vec, idx[:, None], gather_dnums, (1,),
                          mode=lax.GatherScatterMode.PROMISE_IN_BOUNDS)

    def in_copy(g):
        return pltpu.make_async_copy(
            x_hbm.at[pl.ds(base + g * _CHUNK, _CHUNK)], ins[g % _DEPTH],
            sin[g % _DEPTH])

    def out_copy(g):
        return pltpu.make_async_copy(
            outs[g % _DEPTH], o_hbm.at[pl.ds(base + g * _CHUNK, _CHUNK)],
            sout[g % _DEPTH])

    for g in range(min(_DEPTH - 1, nchunk)):
        in_copy(g).start()
    for g in range(nchunk):
        ib = ins[g % _DEPTH]
        ob = outs[g % _DEPTH]
        if g + _DEPTH - 1 < nchunk:
            in_copy(g + _DEPTH - 1).start()
        in_copy(g).wait()
        if g >= _DEPTH:
            out_copy(g - _DEPTH).wait()

        @plsc.parallel_loop(0, _CHUNK, step=_L, unroll=16)
        def _(i):
            xv = ib[pl.ds(i, _L)]
            t = jnp.where(xv >= k3, four_i, zero_i)
            t = t + jnp.where(xv >= take(kv, t + one_i), two_i, zero_i)
            t = t + jnp.where(xv >= take(kv, t), one_i, zero_i)
            ob[pl.ds(i, _L)] = take(lv, t)

        out_copy(g).start()
    for g in range(max(0, nchunk - _DEPTH), nchunk):
        out_copy(g).wait()


@functools.cache
def _sc_quantize(n):
    return functools.partial(
        pl.kernel,
        out_type=jax.ShapeDtypeStruct((n,), jnp.float32),
        mesh=plsc.VectorSubcoreMesh(core_axis_name="c", subcore_axis_name="s",
                                    num_cores=_NC, num_subcores=_NS),
        scratch_types=(
            [pltpu.VMEM((2 * _L,), jnp.float32)]
            + [pltpu.VMEM((_CHUNK,), jnp.float32)] * (2 * _DEPTH)
            + [pltpu.SemaphoreType.DMA] * (2 * _DEPTH)
        ),
    )(functools.partial(_sc_body, n))


def _tc_body(p_ref, x_ref, o_ref):
    xb = x_ref[...]
    z = jnp.full(xb.shape, p_ref[16])
    for j in range(7):
        z = jnp.where(xb >= p_ref[j], p_ref[17 + j], z)
    o_ref[...] = z


def _prep_body(a_ref, b_ref, c_ref, o_ref):
    s = a_ref[0]
    for k in range(1, 7):
        s = s + a_ref[k]
    up = jnp.float32(jnp.inf)
    o_ref[0] = jnp.nextafter(b_ref[0], up)
    for j in range(1, 6):
        o_ref[j] = b_ref[j]
    o_ref[6] = jnp.nextafter(b_ref[6], up)
    for j in range(7, 16):
        o_ref[j] = jnp.float32(jnp.inf)
    o_ref[16] = -s
    o_ref[23] = s
    for i in range(6):
        mid = (b_ref[i] + b_ref[i + 1]) * jnp.float32(0.5)
        acc = a_ref[0] * jnp.tanh(c_ref[0] * (mid - b_ref[0]))
        for k in range(1, 7):
            acc = acc + a_ref[k] * jnp.tanh(c_ref[k] * (mid - b_ref[k]))
        o_ref[17 + i] = acc
    for j in range(24, 32):
        o_ref[j] = jnp.float32(0.0)


@functools.cache
def _prep_params():
    return pl.pallas_call(
        _prep_body,
        in_specs=[pl.BlockSpec(memory_space=pltpu.SMEM)] * 3,
        out_specs=pl.BlockSpec(memory_space=pltpu.SMEM),
        out_shape=jax.ShapeDtypeStruct((32,), jnp.float32),
    )


_TC_BLOCK = _TC_ROWS * _TC_COLS
_SC_BLOCKS = _SC_N // _TC_BLOCK
assert _SC_N % _TC_BLOCK == 0 and (_N - _SC_N) % _TC_BLOCK == 0


@functools.cache
def _tc_quantize():
    return pl.pallas_call(
        _tc_body,
        grid=((_N - _SC_N) // _TC_BLOCK,),
        in_specs=[
            pl.BlockSpec(memory_space=pltpu.SMEM),
            pl.BlockSpec((_TC_BLOCK,), lambda i: (i + _SC_BLOCKS,)),
        ],
        out_specs=pl.BlockSpec((_TC_BLOCK,), lambda i: (i + _SC_BLOCKS,)),
        out_shape=jax.ShapeDtypeStruct((_N,), jnp.float32),
    )


@jax.jit
def kernel(x, a, b, c):
    params = _prep_params()(a, b, c)
    z_sc = _sc_quantize(_SC_N)(x, params)
    z_tc = _tc_quantize()(params, x)
    return lax.dynamic_update_slice(z_tc, z_sc, (0,))

# --- scband reference (transcript-rebuilt; emitter-appended) ---
"""Pipeline reference for scband-hard-quantization-layer-5549097747053 (READ-ONLY COPY).

The authoritative reference and input builder live on the scoring server;
editing this copy changes nothing except your own understanding.
"""

import jax, jax.numpy as jnp
import numpy as np

NUM_CODE_WORDS = 8

def setup_inputs(seed: int = 0) -> dict:
    key = jax.random.key(seed)
    x = jax.random.normal(key, (4194304,), dtype=jnp.float32)
    a = jnp.array([0.2, 0.25, 0.3, 0.25, 0.2, 0.3, 0.25], dtype=jnp.float32)
    b = jnp.array([-3.0, -2.0, -1.0, 0.0, 1.0, 2.0, 3.0], dtype=jnp.float32)
    c = jnp.array([4.0, 5.0, 6.0, 5.0, 4.0, 6.0, 5.0], dtype=jnp.float32)
    return {"x": x, "a": a, "b": b, "c": c}

def reference(x, a, b, c):
    # forward: hard quantization with tanh-smoothed levels inside (b[0], b[-1]]
    bs = jnp.sort(b)
    n = b.shape[0]
    # np.digitize(x, sorted_b) with default right=False
    ind = jnp.digitize(x, bs)
    # clip so gathers are in-range; out-of-range lanes are overwritten by masks below
    ind = jnp.clip(ind, 1, n - 1)
    mid = (bs[ind - 1] + bs[ind]) * 0.5
    # z[i,:] = a[i] * tanh(c[i] * (mid - b[i])); summed over code words
    quant = jnp.sum(a[:, None] * jnp.tanh(c[:, None] * (mid[None, :] - b[:, None])), axis=0)
    s = jnp.sum(a)
    low = x <= b[0]
    high = x > b[-1]
    z = jnp.where(low, -s, jnp.where(high, s, quant))
    return z

if __name__ == "__main__":
    import jax
    _d = setup_inputs()
    print(jax.jit(kernel)(*tuple(_d.values())))

</pallas_src>

<mosaic_0001>
#map = affine_map<(d0, d1) -> (0)>
module attributes {stable_mosaic.version = 14 : i64} {
  func.func @_sc_body(%arg0: i32, %arg1: i32, %arg2: memref<4194304xf32, #tpu.memory_space<hbm>>, %arg3: memref<32xf32, #tpu.memory_space<hbm>>, %arg4: memref<1048576xf32, #tpu.memory_space<hbm>>, %arg5: memref<32xf32, #tpu.memory_space<vmem>>, %arg6: memref<16384xf32, #tpu.memory_space<vmem>>, %arg7: memref<16384xf32, #tpu.memory_space<vmem>>, %arg8: memref<16384xf32, #tpu.memory_space<vmem>>, %arg9: memref<16384xf32, #tpu.memory_space<vmem>>, %arg10: memref<!tpu.dma_semaphore, #tpu.memory_space<semaphore_mem>>, %arg11: memref<!tpu.dma_semaphore, #tpu.memory_space<semaphore_mem>>, %arg12: memref<!tpu.dma_semaphore, #tpu.memory_space<semaphore_mem>>, %arg13: memref<!tpu.dma_semaphore, #tpu.memory_space<semaphore_mem>>) attributes {dimension_semantics = [#tpu.dimension_semantics<core_parallel>, #tpu.dimension_semantics<subcore_parallel>], iteration_bounds = array<i64: 2, 16>, scalar_prefetch = 0 : i64, scratch_operands = 9 : i64, tpu.core_type = #tpu.core_type<sc_vector_subcore>, window_params = [{transform_indices = #map}, {transform_indices = #map}, {transform_indices = #map}]} {
    %mul3A = arith.constant 2 : i32
    %mul3A_0 = arith.muli %arg1, %mul3A : i32
    %add3A = arith.addi %mul3A_0, %arg0 : i32
    %mul3A_1 = arith.constant 32768 : i32
    %mul3A_2 = arith.muli %add3A, %mul3A_1 : i32
    "tpu.region"() ({
      %run_scoped3A = tpu.sem_alloc : memref<!tpu.dma_semaphore, #tpu.memory_space<semaphore_mem>>
      tpu.enqueue_dma source(%arg3 : memref<32xf32, #tpu.memory_space<hbm>>) target(%arg5 : memref<32xf32, #tpu.memory_space<vmem>>) target_semaphore(%run_scoped3A : memref<!tpu.dma_semaphore, #tpu.memory_space<semaphore_mem>>)
      tpu.wait_dma2 semaphore(%run_scoped3A : memref<!tpu.dma_semaphore, #tpu.memory_space<semaphore_mem>>) src(%arg3 : memref<32xf32, #tpu.memory_space<hbm>>) dst(%arg5 : memref<32xf32, #tpu.memory_space<vmem>>)
      tpu.yield
    }) : () -> ()
    %get3A = arith.constant 0 : index
    %get3A_3 = tpu.vector_load %arg5[%get3A] {strides = array<i32>} : memref<32xf32, #tpu.memory_space<vmem>>, vector<16xf32>,
    %get3A_4 = vector.shape_cast %get3A_3 : vector<16xf32> to vector<16xf32>
    %get3A_5 = arith.constant 16 : index
    %get3A_6 = tpu.vector_load %arg5[%get3A_5] {strides = array<i32>} : memref<32xf32, #tpu.memory_space<vmem>>, vector<16xf32>,
    %get3A_7 = vector.shape_cast %get3A_6 : vector<16xf32> to vector<16xf32>
    %slice3A = vector.extract_strided_slice %get3A_4 {offsets = [3], sizes = [1], strides = [1]} : vector<16xf32> to vector<1xf32>
    %squeeze3A = vector.extract %slice3A[0] : f32 from vector<1xf32>
    %broadcast_in_dim3A = vector.broadcast %squeeze3A : f32 to vector<16xf32>
    %broadcast_in_dim3A_8 = arith.constant 0 : i32
    %broadcast_in_dim3A_9 = vector.broadcast %broadcast_in_dim3A_8 : i32 to vector<16xi32>
    %broadcast_in_dim3A_10 = arith.constant 1 : i32
    %broadcast_in_dim3A_11 = vector.broadcast %broadcast_in_dim3A_10 : i32 to vector<16xi32>
    %broadcast_in_dim3A_12 = arith.constant 2 : i32
    %broadcast_in_dim3A_13 = vector.broadcast %broadcast_in_dim3A_12 : i32 to vector<16xi32>
    %broadcast_in_dim3A_14 = arith.constant 4 : i32
    %broadcast_in_dim3A_15 = vector.broadcast %broadcast_in_dim3A_14 : i32 to vector<16xi32>
    %add3A_16 = arith.constant 0 : i32
    %add3A_17 = arith.addi %mul3A_2, %add3A_16 : i32
    %dma_start3A = tpu.memref_slice %arg2[%add3A_17] : memref<4194304xf32, #tpu.memory_space<hbm>> -> memref<16384xf32, #tpu.memory_space<hbm>>
    %dma_start3A_18 = tpu.memref_slice %arg2[%add3A_17] : memref<4194304xf32, #tpu.memory_space<hbm>> -> memref<16384xf32, #tpu.memory_space<hbm>>
    tpu.enqueue_dma source(%dma_start3A_18 : memref<16384xf32, #tpu.memory_space<hbm>>) target(%arg6 : memref<16384xf32, #tpu.memory_space<vmem>>) target_semaphore(%arg10 : memref<!tpu.dma_semaphore, #tpu.memory_space<semaphore_mem>>)
    %add3A_19 = arith.constant 16384 : i32
    %add3A_20 = arith.addi %mul3A_2, %add3A_19 : i32
    %dma_start3A_21 = tpu.memref_slice %arg2[%add3A_20] : memref<4194304xf32, #tpu.memory_space<hbm>> -> memref<16384xf32, #tpu.memory_space<hbm>>
    %dma_start3A_22 = tpu.memref_slice %arg2[%add3A_20] : memref<4194304xf32, #tpu.memory_space<hbm>> -> memref<16384xf32, #tpu.memory_space<hbm>>
    tpu.enqueue_dma source(%dma_start3A_22 : memref<16384xf32, #tpu.memory_space<hbm>>) target(%arg7 : memref<16384xf32, #tpu.memory_space<vmem>>) target_semaphore(%arg11 : memref<!tpu.dma_semaphore, #tpu.memory_space<semaphore_mem>>)
    %add3A_23 = arith.constant 0 : i32
    %add3A_24 = arith.addi %mul3A_2, %add3A_23 : i32
    %dma_wait3A = tpu.memref_slice %arg2[%add3A_24] : memref<4194304xf32, #tpu.memory_space<hbm>> -> memref<16384xf32, #tpu.memory_space<hbm>>
    %dma_wait3A_25 = tpu.memref_slice %arg2[%add3A_24] : memref<4194304xf32, #tpu.memory_space<hbm>> -> memref<16384xf32, #tpu.memory_space<hbm>>
    tpu.wait_dma2 semaphore(%arg10 : memref<!tpu.dma_semaphore, #tpu.memory_space<semaphore_mem>>) src(%dma_wait3A_25 : memref<16384xf32, #tpu.memory_space<hbm>>) dst(%arg6 : memref<16384xf32, #tpu.memory_space<vmem>>)
    %parallel_loop3A = arith.constant 0 : i32
    %parallel_loop3A_26 = arith.constant 16384 : i32
    %parallel_loop3A_27 = arith.constant 16 : i32
    scf.for %parallel_loop3A_51 = %parallel_loop3A to %parallel_loop3A_26 step %parallel_loop3A_27  : i32 {
      %parallel_loop3A_52 = arith.index_cast %parallel_loop3A_51 : i32 to index
      %parallel_loop3A_53 = tpu.vector_load %arg6[%parallel_loop3A_52] {strides = array<i32>} : memref<16384xf32, #tpu.memory_space<vmem>>, vector<16xf32>,
      %parallel_loop3A_54 = vector.shape_cast %parallel_loop3A_53 : vector<16xf32> to vector<16xf32>
      %parallel_loop3A_55 = arith.cmpf oge, %parallel_loop3A_54, %broadcast_in_dim3A : vector<16xf32>
      %parallel_loop3A_56 = arith.select %parallel_loop3A_55, %broadcast_in_dim3A_15, %broadcast_in_dim3A_9 : vector<16xi1>, vector<16xi32>
      %parallel_loop3A_57 = arith.addi %parallel_loop3A_56, %broadcast_in_dim3A_11 : vector<16xi32>
      %parallel_loop3A_58 = vector.shape_cast %parallel_loop3A_57 : vector<16xi32> to vector<16x1xi32>
      %parallel_loop3A_59 = vector.shape_cast %parallel_loop3A_58 : vector<16x1xi32> to vector<16xi32>
      %parallel_loop3A_60 = tpu.dynamic_gather %get3A_4[%parallel_loop3A_59] in [0] : vector<16xf32>, vector<16xi32> -> vector<16xf32>
      %parallel_loop3A_61 = arith.cmpf oge, %parallel_loop3A_54, %parallel_loop3A_60 : vector<16xf32>
      %parallel_loop3A_62 = arith.select %parallel_loop3A_61, %broadcast_in_dim3A_13, %broadcast_in_dim3A_9 : vector<16xi1>, vector<16xi32>
      %parallel_loop3A_63 = arith.addi %parallel_loop3A_56, %parallel_loop3A_62 : vector<16xi32>
      %parallel_loop3A_64 = vector.shape_cast %parallel_loop3A_63 : vector<16xi32> to vector<16x1xi32>
      %parallel_loop3A_65 = vector.shape_cast %parallel_loop3A_64 : vector<16x1xi32> to vector<16xi32>
      %parallel_loop3A_66 = tpu.dynamic_gather %get3A_4[%parallel_loop3A_65] in [0] : vector<16xf32>, vector<16xi32> -> vector<16xf32>
      %parallel_loop3A_67 = arith.cmpf oge, %parallel_loop3A_54, %parallel_loop3A_66 : vector<16xf32>
      %parallel_loop3A_68 = arith.select %parallel_loop3A_67, %broadcast_in_dim3A_11, %broadcast_in_dim3A_9 : vector<16xi1>, vector<16xi32>
      %parallel_loop3A_69 = arith.addi %parallel_loop3A_63, %parallel_loop3A_68 : vector<16xi32>
      %parallel_loop3A_70 = vector.shape_cast %parallel_loop3A_69 : vector<16xi32> to vector<16x1xi32>
      %parallel_loop3A_71 = vector.shape_cast %parallel_loop3A_70 : vector<16x1xi32> to vector<16xi32>
      %parallel_loop3A_72 = tpu.dynamic_gather %get3A_7[%parallel_loop3A_71] in [0] : vector<16xf32>, vector<16xi32> -> vector<16xf32>
      %parallel_loop3A_73 = arith.index_cast %parallel_loop3A_51 : i32 to index
      %parallel_loop3A_74 = tpu.vector_load %arg8[%parallel_loop3A_73] {strides = array<i32>} : memref<16384xf32, #tpu.memory_space<vmem>>, vector<16xf32>,
      %parallel_loop3A_75 = vector.shape_cast %parallel_loop3A_74 : vector<16xf32> to vector<16xf32>
      %parallel_loop3A_76 = vector.shape_cast %parallel_loop3A_72 : vector<16xf32> to vector<16xf32>
      tpu.vector_store %arg8[%parallel_loop3A_73], %parallel_loop3A_76 {strides = array<i32>} : memref<16384xf32, #tpu.memory_space<vmem>>, vector<16xf32>,
    } {sc.loop_unroll_factor = 16 : i64, sc.parallel_access}
    %add3A_28 = arith.constant 0 : i32
    %add3A_29 = arith.addi %mul3A_2, %add3A_28 : i32
    %dma_start3A_30 = tpu.memref_slice %arg4[%add3A_29] : memref<1048576xf32, #tpu.memory_space<hbm>> -> memref<16384xf32, #tpu.memory_space<hbm>>
    %dma_start3A_31 = tpu.memref_slice %arg4[%add3A_29] : memref<1048576xf32, #tpu.memory_space<hbm>> -> memref<16384xf32, #tpu.memory_space<hbm>>
    tpu.enqueue_dma source(%arg8 : memref<16384xf32, #tpu.memory_space<vmem>>) target(%dma_start3A_31 : memref<16384xf32, #tpu.memory_space<hbm>>) target_semaphore(%arg12 : memref<!tpu.dma_semaphore, #tpu.memory_space<semaphore_mem>>)
    %add3A_32 = arith.constant 16384 : i32
    %add3A_33 = arith.addi %mul3A_2, %add3A_32 : i32
    %dma_wait3A_34 = tpu.memref_slice %arg2[%add3A_33] : memref<4194304xf32, #tpu.memory_space<hbm>> -> memref<16384xf32, #tpu.memory_space<hbm>>
    %dma_wait3A_35 = tpu.memref_slice %arg2[%add3A_33] : memref<4194304xf32, #tpu.memory_space<hbm>> -> memref<16384xf32, #tpu.memory_space<hbm>>
    tpu.wait_dma2 semaphore(%arg11 : memref<!tpu.dma_semaphore, #tpu.memory_space<semaphore_mem>>) src(%dma_wait3A_35 : memref<16384xf32, #tpu.memory_space<hbm>>) dst(%arg7 : memref<16384xf32, #tpu.memory_space<vmem>>)
    %parallel_loop3A_36 = arith.constant 0 : i32
    %parallel_loop3A_37 = arith.constant 16384 : i32
    %parallel_loop3A_38 = arith.constant 16 : i32
    scf.for %parallel_loop3A_51 = %parallel_loop3A_36 to %parallel_loop3A_37 step %parallel_loop3A_38  : i32 {
      %parallel_loop3A_52 = arith.index_cast %parallel_loop3A_51 : i32 to index
      %parallel_loop3A_53 = tpu.vector_load %arg7[%parallel_loop3A_52] {strides = array<i32>} : memref<16384xf32, #tpu.memory_space<vmem>>, vector<16xf32>,
      %parallel_loop3A_54 = vector.shape_cast %parallel_loop3A_53 : vector<16xf32> to vector<16xf32>
      %parallel_loop3A_55 = arith.cmpf oge, %parallel_loop3A_54, %broadcast_in_dim3A : vector<16xf32>
      %parallel_loop3A_56 = arith.select %parallel_loop3A_55, %broadcast_in_dim3A_15, %broadcast_in_dim3A_9 : vector<16xi1>, vector<16xi32>
      %parallel_loop3A_57 = arith.addi %parallel_loop3A_56, %broadcast_in_dim3A_11 : vector<16xi32>
      %parallel_loop3A_58 = vector.shape_cast %parallel_loop3A_57 : vector<16xi32> to vector<16x1xi32>
      %parallel_loop3A_59 = vector.shape_cast %parallel_loop3A_58 : vector<16x1xi32> to vector<16xi32>
      %parallel_loop3A_60 = tpu.dynamic_gather %get3A_4[%parallel_loop3A_59] in [0] : vector<16xf32>, vector<16xi32> -> vector<16xf32>
      %parallel_loop3A_61 = arith.cmpf oge, %parallel_loop3A_54, %parallel_loop3A_60 : vector<16xf32>
      %parallel_loop3A_62 = arith.select %parallel_loop3A_61, %broadcast_in_dim3A_13, %broadcast_in_dim3A_9 : vector<16xi1>, vector<16xi32>
      %parallel_loop3A_63 = arith.addi %parallel_loop3A_56, %parallel_loop3A_62 : vector<16xi32>
      %parallel_loop3A_64 = vector.shape_cast %parallel_loop3A_63 : vector<16xi32> to vector<16x1xi32>
      %parallel_loop3A_65 = vector.shape_cast %parallel_loop3A_64 : vector<16x1xi32> to vector<16xi32>
      %parallel_loop3A_66 = tpu.dynamic_gather %get3A_4[%parallel_loop3A_65] in [0] : vector<16xf32>, vector<16xi32> -> vector<16xf32>
      %parallel_loop3A_67 = arith.cmpf oge, %parallel_loop3A_54, %parallel_loop3A_66 : vector<16xf32>
      %parallel_loop3A_68 = arith.select %parallel_loop3A_67, %broadcast_in_dim3A_11, %broadcast_in_dim3A_9 : vector<16xi1>, vector<16xi32>
      %parallel_loop3A_69 = arith.addi %parallel_loop3A_63, %parallel_loop3A_68 : vector<16xi32>
      %parallel_loop3A_70 = vector.shape_cast %parallel_loop3A_69 : vector<16xi32> to vector<16x1xi32>
      %parallel_loop3A_71 = vector.shape_cast %parallel_loop3A_70 : vector<16x1xi32> to vector<16xi32>
      %parallel_loop3A_72 = tpu.dynamic_gather %get3A_7[%parallel_loop3A_71] in [0] : vector<16xf32>, vector<16xi32> -> vector<16xf32>
      %parallel_loop3A_73 = arith.index_cast %parallel_loop3A_51 : i32 to index
      %parallel_loop3A_74 = tpu.vector_load %arg9[%parallel_loop3A_73] {strides = array<i32>} : memref<16384xf32, #tpu.memory_space<vmem>>, vector<16xf32>,
      %parallel_loop3A_75 = vector.shape_cast %parallel_loop3A_74 : vector<16xf32> to vector<16xf32>
      %parallel_loop3A_76 = vector.shape_cast %parallel_loop3A_72 : vector<16xf32> to vector<16xf32>
      tpu.vector_store %arg9[%parallel_loop3A_73], %parallel_loop3A_76 {strides = array<i32>} : memref<16384xf32, #tpu.memory_space<vmem>>, vector<16xf32>,
    } {sc.loop_unroll_factor = 16 : i64, sc.parallel_access}
    %add3A_39 = arith.constant 16384 : i32
    %add3A_40 = arith.addi %mul3A_2, %add3A_39 : i32
    %dma_start3A_41 = tpu.memref_slice %arg4[%add3A_40] : memref<1048576xf32, #tpu.memory_space<hbm>> -> memref<16384xf32, #tpu.memory_space<hbm>>
    %dma_start3A_42 = tpu.memref_slice %arg4[%add3A_40] : memref<1048576xf32, #tpu.memory_space<hbm>> -> memref<16384xf32, #tpu.memory_space<hbm>>
    tpu.enqueue_dma source(%arg9 : memref<16384xf32, #tpu.memory_space<vmem>>) target(%dma_start3A_42 : memref<16384xf32, #tpu.memory_space<hbm>>) target_semaphore(%arg13 : memref<!tpu.dma_semaphore, #tpu.memory_space<semaphore_mem>>)
    %add3A_43 = arith.constant 0 : i32
    %add3A_44 = arith.addi %mul3A_2, %add3A_43 : i32
    %dma_wait3A_45 = tpu.memref_slice %arg4[%add3A_44] : memref<1048576xf32, #tpu.memory_space<hbm>> -> memref<16384xf32, #tpu.memory_space<hbm>>
    %dma_wait3A_46 = tpu.memref_slice %arg4[%add3A_44] : memref<1048576xf32, #tpu.memory_space<hbm>> -> memref<16384xf32, #tpu.memory_space<hbm>>
    tpu.wait_dma2 semaphore(%arg12 : memref<!tpu.dma_semaphore, #tpu.memory_space<semaphore_mem>>) src(%arg8 : memref<16384xf32, #tpu.memory_space<vmem>>) dst(%dma_wait3A_46 : memref<16384xf32, #tpu.memory_space<hbm>>)
    %add3A_47 = arith.constant 16384 : i32
    %add3A_48 = arith.addi %mul3A_2, %add3A_47 : i32
    %dma_wait3A_49 = tpu.memref_slice %arg4[%add3A_48] : memref<1048576xf32, #tpu.memory_space<hbm>> -> memref<16384xf32, #tpu.memory_space<hbm>>
    %dma_wait3A_50 = tpu.memref_slice %arg4[%add3A_48] : memref<1048576xf32, #tpu.memory_space<hbm>> -> memref<16384xf32, #tpu.memory_space<hbm>>
    tpu.wait_dma2 semaphore(%arg13 : memref<!tpu.dma_semaphore, #tpu.memory_space<semaphore_mem>>) src(%arg9 : memref<16384xf32, #tpu.memory_space<vmem>>) dst(%dma_wait3A_50 : memref<16384xf32, #tpu.memory_space<hbm>>)
    return
  }
}

module attributes {stable_mosaic.version = 14 : i64} {
  func.func @_prep_body(%arg0: memref<7xf32, #tpu.memory_space<smem>>, %arg1: memref<7xf32, #tpu.memory_space<smem>>, %arg2: memref<7xf32, #tpu.memory_space<smem>>, %arg3: memref<32xf32, #tpu.memory_space<smem>>) attributes {dimension_semantics = [], scalar_prefetch = 0 : i64, scratch_operands = 0 : i64, tpu.core_type = #tpu.core_type<tc>} {
    %get3A = arith.constant 0 : index
    %get3A_0 = memref.load %arg0[%get3A] : memref<7xf32, #tpu.memory_space<smem>>
    %get3A_1 = arith.constant 1 : index
    %get3A_2 = memref.load %arg0[%get3A_1] : memref<7xf32, #tpu.memory_space<smem>>
    %add3A = arith.addf %get3A_0, %get3A_2 : f32
    %get3A_3 = arith.constant 2 : index
    %get3A_4 = memref.load %arg0[%get3A_3] : memref<7xf32, #tpu.memory_space<smem>>
    %add3A_5 = arith.addf %add3A, %get3A_4 : f32
    %get3A_6 = arith.constant 3 : index
    %get3A_7 = memref.load %arg0[%get3A_6] : memref<7xf32, #tpu.memory_space<smem>>
    %add3A_8 = arith.addf %add3A_5, %get3A_7 : f32
    %get3A_9 = arith.constant 4 : index
    %get3A_10 = memref.load %arg0[%get3A_9] : memref<7xf32, #tpu.memory_space<smem>>
    %add3A_11 = arith.addf %add3A_8, %get3A_10 : f32
    %get3A_12 = arith.constant 5 : index
    %get3A_13 = memref.load %arg0[%get3A_12] : memref<7xf32, #tpu.memory_space<smem>>
    %add3A_14 = arith.addf %add3A_11, %get3A_13 : f32
    %get3A_15 = arith.constant 6 : index
    %get3A_16 = memref.load %arg0[%get3A_15] : memref<7xf32, #tpu.memory_space<smem>>
    %add3A_17 = arith.addf %add3A_14, %get3A_16 : f32
    %get3A_18 = arith.constant 0 : index
    %get3A_19 = memref.load %arg1[%get3A_18] : memref<7xf32, #tpu.memory_space<smem>>
    %nextafter3A = arith.constant 0x7F800000 : f32
    %nextafter3A_20 = vector.broadcast %get3A_19 : f32 to vector<1xf32>
    %nextafter3A_21 = tpu.bitcast %nextafter3A_20 : vector<1xf32> -> vector<1xi32>
    %nextafter3A_22 = vector.extract %nextafter3A_21[0] : i32 from vector<1xi32>
    %nextafter3A_23 = vector.broadcast %nextafter3A : f32 to vector<1xf32>
    %nextafter3A_24 = tpu.bitcast %nextafter3A_23 : vector<1xf32> -> vector<1xi32>
    %nextafter3A_25 = vector.extract %nextafter3A_24[0] : i32 from vector<1xi32>
    %nextafter3A_26 = arith.cmpf one, %get3A_19, %get3A_19 : f32
    %nextafter3A_27 = arith.cmpf one, %nextafter3A, %nextafter3A : f32
    %nextafter3A_28 = arith.ori %nextafter3A_26, %nextafter3A_27 : i1
    %nextafter3A_29 = arith.constant -2147483648 : i32
    %nextafter3A_30 = arith.constant -1 : i32
    %nextafter3A_31 = arith.xori %nextafter3A_29, %nextafter3A_30 : i32
    %nextafter3A_32 = arith.andi %nextafter3A_22, %nextafter3A_31 : i32
    %nextafter3A_33 = arith.andi %nextafter3A_25, %nextafter3A_31 : i32
    %nextafter3A_34 = arith.cmpf oeq, %get3A_19, %nextafter3A : f32
    %nextafter3A_35 = arith.constant 0 : i32
    %nextafter3A_36 = arith.cmpi eq, %nextafter3A_32, %nextafter3A_35 : i32
    %nextafter3A_37 = arith.constant 0 : i32
    %nextafter3A_38 = arith.cmpi eq, %nextafter3A_33, %nextafter3A_37 : i32
    %nextafter3A_39 = arith.constant -2147483648 : i32
    %nextafter3A_40 = arith.andi %nextafter3A_22, %nextafter3A_39 : i32
    %nextafter3A_41 = arith.constant -2147483648 : i32
    %nextafter3A_42 = arith.andi %nextafter3A_25, %nextafter3A_41 : i32
    %nextafter3A_43 = arith.constant 1 : i32
    %nextafter3A_44 = arith.ori %nextafter3A_42, %nextafter3A_43 : i32
    %nextafter3A_45 = arith.cmpi ne, %nextafter3A_40, %nextafter3A_42 : i32
    %nextafter3A_46 = arith.cmpi ugt, %nextafter3A_32, %nextafter3A_33 : i32
    %nextafter3A_47 = arith.ori %nextafter3A_46, %nextafter3A_45 : i1
    %nextafter3A_48 = arith.constant -1 : i32
    %nextafter3A_49 = arith.constant 1 : i32
    %nextafter3A_50 = arith.select %nextafter3A_47, %nextafter3A_48, %nextafter3A_49 : i32
    %nextafter3A_51 = arith.addi %nextafter3A_22, %nextafter3A_50 : i32
    %nextafter3A_52 = arith.select %nextafter3A_38, %nextafter3A_25, %nextafter3A_44 : i32
    %nextafter3A_53 = arith.select %nextafter3A_36, %nextafter3A_52, %nextafter3A_51 : i32
    %nextafter3A_54 = arith.select %nextafter3A_34, %nextafter3A_25, %nextafter3A_53 : i32
    %nextafter3A_55 = arith.constant 2143289344 : i32
    %nextafter3A_56 = arith.select %nextafter3A_28, %nextafter3A_55, %nextafter3A_54 : i32
    %nextafter3A_57 = vector.broadcast %nextafter3A_56 : i32 to vector<1xi32>
    %nextafter3A_58 = tpu.bitcast %nextafter3A_57 : vector<1xi32> -> vector<1xf32>
    %nextafter3A_59 = vector.extract %nextafter3A_58[0] : f32 from vector<1xf32>
    %swap3A = arith.constant 0 : index
    %swap3A_60 = memref.load %arg3[%swap3A] : memref<32xf32, #tpu.memory_space<smem>>
    memref.store %nextafter3A_59, %arg3[%swap3A] : memref<32xf32, #tpu.memory_space<smem>>
    %get3A_61 = arith.constant 1 : index
    %get3A_62 = memref.load %arg1[%get3A_61] : memref<7xf32, #tpu.memory_space<smem>>
    %swap3A_63 = arith.constant 1 : index
    %swap3A_64 = memref.load %arg3[%swap3A_63] : memref<32xf32, #tpu.memory_space<smem>>
    memref.store %get3A_62, %arg3[%swap3A_63] : memref<32xf32, #tpu.memory_space<smem>>
    %get3A_65 = arith.constant 2 : index
    %get3A_66 = memref.load %arg1[%get3A_65] : memref<7xf32, #tpu.memory_space<smem>>
    %swap3A_67 = arith.constant 2 : index
    %swap3A_68 = memref.load %arg3[%swap3A_67] : memref<32xf32, #tpu.memory_space<smem>>
    memref.store %get3A_66, %arg3[%swap3A_67] : memref<32xf32, #tpu.memory_space<smem>>
    %get3A_69 = arith.constant 3 : index
    %get3A_70 = memref.load %arg1[%get3A_69] : memref<7xf32, #tpu.memory_space<smem>>
    %swap3A_71 = arith.constant 3 : index
    %swap3A_72 = memref.load %arg3[%swap3A_71] : memref<32xf32, #tpu.memory_space<smem>>
    memref.store %get3A_70, %arg3[%swap3A_71] : memref<32xf32, #tpu.memory_space<smem>>
    %get3A_73 = arith.constant 4 : index
    %get3A_74 = memref.load %arg1[%get3A_73] : memref<7xf32, #tpu.memory_space<smem>>
    %swap3A_75 = arith.constant 4 : index
    %swap3A_76 = memref.load %arg3[%swap3A_75] : memref<32xf32, #tpu.memory_space<smem>>
    memref.store %get3A_74, %arg3[%swap3A_75] : memref<32xf32, #tpu.memory_space<smem>>
    %get3A_77 = arith.constant 5 : index
    %get3A_78 = memref.load %arg1[%get3A_77] : memref<7xf32, #tpu.memory_space<smem>>
    %swap3A_79 = arith.constant 5 : index
    %swap3A_80 = memref.load %arg3[%swap3A_79] : memref<32xf32, #tpu.memory_space<smem>>
    memref.store %get3A_78, %arg3[%swap3A_79] : memref<32xf32, #tpu.memory_space<smem>>
    %get3A_81 = arith.constant 6 : index
    %get3A_82 = memref.load %arg1[%get3A_81] : memref<7xf32, #tpu.memory_space<smem>>
    %nextafter3A_83 = arith.constant 0x7F800000 : f32
    %nextafter3A_84 = vector.broadcast %get3A_82 : f32 to vector<1xf32>
    %nextafter3A_85 = tpu.bitcast %nextafter3A_84 : vector<1xf32> -> vector<1xi32>
    %nextafter3A_86 = vector.extract %nextafter3A_85[0] : i32 from vector<1xi32>
    %nextafter3A_87 = vector.broadcast %nextafter3A_83 : f32 to vector<1xf32>
    %nextafter3A_88 = tpu.bitcast %nextafter3A_87 : vector<1xf32> -> vector<1xi32>
    %nextafter3A_89 = vector.extract %nextafter3A_88[0] : i32 from vector<1xi32>
    %nextafter3A_90 = arith.cmpf one, %get3A_82, %get3A_82 : f32
    %nextafter3A_91 = arith.cmpf one, %nextafter3A_83, %nextafter3A_83 : f32
    %nextafter3A_92 = arith.ori %nextafter3A_90, %nextafter3A_91 : i1
    %nextafter3A_93 = arith.constant -2147483648 : i32
    %nextafter3A_94 = arith.constant -1 : i32
    %nextafter3A_95 = arith.xori %nextafter3A_93, %nextafter3A_94 : i32
    %nextafter3A_96 = arith.andi %nextafter3A_86, %nextafter3A_95 : i32
    %nextafter3A_97 = arith.andi %nextafter3A_89, %nextafter3A_95 : i32
    %nextafter3A_98 = arith.cmpf oeq, %get3A_82, %nextafter3A_83 : f32
    %nextafter3A_99 = arith.constant 0 : i32
    %nextafter3A_100 = arith.cmpi eq, %nextafter3A_96, %nextafter3A_99 : i32
    %nextafter3A_101 = arith.constant 0 : i32
    %nextafter3A_102 = arith.cmpi eq, %nextafter3A_97, %nextafter3A_101 : i32
    %nextafter3A_103 = arith.constant -2147483648 : i32
    %nextafter3A_104 = arith.andi %nextafter3A_86, %nextafter3A_103 : i32
    %nextafter3A_105 = arith.constant -2147483648 : i32
    %nextafter3A_106 = arith.andi %nextafter3A_89, %nextafter3A_105 : i32
    %nextafter3A_107 = arith.constant 1 : i32
    %nextafter3A_108 = arith.ori %nextafter3A_106, %nextafter3A_107 : i32
    %nextafter3A_109 = arith.cmpi ne, %nextafter3A_104, %nextafter3A_106 : i32
    %nextafter3A_110 = arith.cmpi ugt, %nextafter3A_96, %nextafter3A_97 : i32
    %nextafter3A_111 = arith.ori %nextafter3A_110, %nextafter3A_109 : i1
    %nextafter3A_112 = arith.constant -1 : i32
    %nextafter3A_113 = arith.constant 1 : i32
    %nextafter3A_114 = arith.select %nextafter3A_111, %nextafter3A_112, %nextafter3A_113 : i32
    %nextafter3A_115 = arith.addi %nextafter3A_86, %nextafter3A_114 : i32
    %nextafter3A_116 = arith.select %nextafter3A_102, %nextafter3A_89, %nextafter3A_108 : i32
    %nextafter3A_117 = arith.select %nextafter3A_100, %nextafter3A_116, %nextafter3A_115 : i32
    %nextafter3A_118 = arith.select %nextafter3A_98, %nextafter3A_89, %nextafter3A_117 : i32
    %nextafter3A_119 = arith.constant 2143289344 : i32
    %nextafter3A_120 = arith.select %nextafter3A_92, %nextafter3A_119, %nextafter3A_118 : i32
    %nextafter3A_121 = vector.broadcast %nextafter3A_120 : i32 to vector<1xi32>
    %nextafter3A_122 = tpu.bitcast %nextafter3A_121 : vector<1xi32> -> vector<1xf32>
    %nextafter3A_123 = vector.extract %nextafter3A_122[0] : f32 from vector<1xf32>
    %swap3A_124 = arith.constant 6 : index
    %swap3A_125 = memref.load %arg3[%swap3A_124] : memref<32xf32, #tpu.memory_space<smem>>
    memref.store %nextafter3A_123, %arg3[%swap3A_124] : memref<32xf32, #tpu.memory_space<smem>>
    %swap3A_126 = arith.constant 0x7F800000 : f32
    %swap3A_127 = arith.constant 7 : index
    %swap3A_128 = memref.load %arg3[%swap3A_127] : memref<32xf32, #tpu.memory_space<smem>>
    memref.store %swap3A_126, %arg3[%swap3A_127] : memref<32xf32, #tpu.memory_space<smem>>
    %swap3A_129 = arith.constant 0x7F800000 : f32
    %swap3A_130 = arith.constant 8 : index
    %swap3A_131 = memref.load %arg3[%swap3A_130] : memref<32xf32, #tpu.memory_space<smem>>
    memref.store %swap3A_129, %arg3[%swap3A_130] : memref<32xf32, #tpu.memory_space<smem>>
    %swap3A_132 = arith.constant 0x7F800000 : f32
    %swap3A_133 = arith.constant 9 : index
    %swap3A_134 = memref.load %arg3[%swap3A_133] : memref<32xf32, #tpu.memory_space<smem>>
    memref.store %swap3A_132, %arg3[%swap3A_133] : memref<32xf32, #tpu.memory_space<smem>>
    %swap3A_135 = arith.constant 0x7F800000 : f32
    %swap3A_136 = arith.constant 10 : index
    %swap3A_137 = memref.load %arg3[%swap3A_136] : memref<32xf32, #tpu.memory_space<smem>>
    memref.store %swap3A_135, %arg3[%swap3A_136] : memref<32xf32, #tpu.memory_space<smem>>
    %swap3A_138 = arith.constant 0x7F800000 : f32
    %swap3A_139 = arith.constant 11 : index
    %swap3A_140 = memref.load %arg3[%swap3A_139] : memref<32xf32, #tpu.memory_space<smem>>
    memref.store %swap3A_138, %arg3[%swap3A_139] : memref<32xf32, #tpu.memory_space<smem>>
    %swap3A_141 = arith.constant 0x7F800000 : f32
    %swap3A_142 = arith.constant 12 : index
    %swap3A_143 = memref.load %arg3[%swap3A_142] : memref<32xf32, #tpu.memory_space<smem>>
    memref.store %swap3A_141, %arg3[%swap3A_142] : memref<32xf32, #tpu.memory_space<smem>>
    %swap3A_144 = arith.constant 0x7F800000 : f32
    %swap3A_145 = arith.constant 13 : index
    %swap3A_146 = memref.load %arg3[%swap3A_145] : memref<32xf32, #tpu.memory_space<smem>>
    memref.store %swap3A_144, %arg3[%swap3A_145] : memref<32xf32, #tpu.memory_space<smem>>
    %swap3A_147 = arith.constant 0x7F800000 : f32
    %swap3A_148 = arith.constant 14 : index
    %swap3A_149 = memref.load %arg3[%swap3A_148] : memref<32xf32, #tpu.memory_space<smem>>
    memref.store %swap3A_147, %arg3[%swap3A_148] : memref<32xf32, #tpu.memory_space<smem>>
    %swap3A_150 = arith.constant 0x7F800000 : f32
    %swap3A_151 = arith.constant 15 : index
    %swap3A_152 = memref.load %arg3[%swap3A_151] : memref<32xf32, #tpu.memory_space<smem>>
    memref.store %swap3A_150, %arg3[%swap3A_151] : memref<32xf32, #tpu.memory_space<smem>>
    %neg3A = arith.constant 0.000000e+00 : f32
    %neg3A_153 = arith.subf %neg3A, %add3A_17 : f32
    %swap3A_154 = arith.constant 16 : index
    %swap3A_155 = memref.load %arg3[%swap3A_154] : memref<32xf32, #tpu.memory_space<smem>>
    memref.store %neg3A_153, %arg3[%swap3A_154] : memref<32xf32, #tpu.memory_space<smem>>
    %swap3A_156 = arith.constant 23 : index
    %swap3A_157 = memref.load %arg3[%swap3A_156] : memref<32xf32, #tpu.memory_space<smem>>
    memref.store %add3A_17, %arg3[%swap3A_156] : memref<32xf32, #tpu.memory_space<smem>>
    %get3A_158 = arith.constant 0 : index
    %get3A_159 = memref.load %arg1[%get3A_158] : memref<7xf32, #tpu.memory_space<smem>>
    %get3A_160 = arith.constant 1 : index
    %get3A_161 = memref.load %arg1[%get3A_160] : memref<7xf32, #tpu.memory_space<smem>>
    %add3A_162 = arith.addf %get3A_159, %get3A_161 : f32
    %mul3A = arith.constant 5.000000e-01 : f32
    %mul3A_163 = arith.mulf %add3A_162, %mul3A : f32
    %get3A_164 = arith.constant 0 : index
    %get3A_165 = memref.load %arg0[%get3A_164] : memref<7xf32, #tpu.memory_space<smem>>
    %get3A_166 = arith.constant 0 : index
    %get3A_167 = memref.load %arg2[%get3A_166] : memref<7xf32, #tpu.memory_space<smem>>
    %get3A_168 = arith.constant 0 : index
    %get3A_169 = memref.load %arg1[%get3A_168] : memref<7xf32, #tpu.memory_space<smem>>
    %sub3A = arith.subf %mul3A_163, %get3A_169 : f32
    %mul3A_170 = arith.mulf %get3A_167, %sub3A : f32
    %tanh3A = math.tanh %mul3A_170 : f32
    %mul3A_171 = arith.mulf %get3A_165, %tanh3A : f32
    %get3A_172 = arith.constant 1 : index
    %get3A_173 = memref.load %arg0[%get3A_172] : memref<7xf32, #tpu.memory_space<smem>>
    %get3A_174 = arith.constant 1 : index
    %get3A_175 = memref.load %arg2[%get3A_174] : memref<7xf32, #tpu.memory_space<smem>>
    %get3A_176 = arith.constant 1 : index
    %get3A_177 = memref.load %arg1[%get3A_176] : memref<7xf32, #tpu.memory_space<smem>>
    %sub3A_178 = arith.subf %mul3A_163, %get3A_177 : f32
    %mul3A_179 = arith.mulf %get3A_175, %sub3A_178 : f32
    %tanh3A_180 = math.tanh %mul3A_179 : f32
    %mul3A_181 = arith.mulf %get3A_173, %tanh3A_180 : f32
    %add3A_182 = arith.addf %mul3A_171, %mul3A_181 : f32
    %get3A_183 = arith.constant 2 : index
    %get3A_184 = memref.load %arg0[%get3A_183] : memref<7xf32, #tpu.memory_space<smem>>
    %get3A_185 = arith.constant 2 : index
    %get3A_186 = memref.load %arg2[%get3A_185] : memref<7xf32, #tpu.memory_space<smem>>
    %get3A_187 = arith.constant 2 : index
    %get3A_188 = memref.load %arg1[%get3A_187] : memref<7xf32, #tpu.memory_space<smem>>
    %sub3A_189 = arith.subf %mul3A_163, %get3A_188 : f32
    %mul3A_190 = arith.mulf %get3A_186, %sub3A_189 : f32
    %tanh3A_191 = math.tanh %mul3A_190 : f32
    %mul3A_192 = arith.mulf %get3A_184, %tanh3A_191 : f32
    %add3A_193 = arith.addf %add3A_182, %mul3A_192 : f32
    %get3A_194 = arith.constant 3 : index
    %get3A_195 = memref.load %arg0[%get3A_194] : memref<7xf32, #tpu.memory_space<smem>>
    %get3A_196 = arith.constant 3 : index
    %get3A_197 = memref.load %arg2[%get3A_196] : memref<7xf32, #tpu.memory_space<smem>>
    %get3A_198 = arith.constant 3 : index
    %get3A_199 = memref.load %arg1[%get3A_198] : memref<7xf32, #tpu.memory_space<smem>>
    %sub3A_200 = arith.subf %mul3A_163, %get3A_199 : f32
    %mul3A_201 = arith.mulf %get3A_197, %sub3A_200 : f32
    %tanh3A_202 = math.tanh %mul3A_201 : f32
    %mul3A_203 = arith.mulf %get3A_195, %tanh3A_202 : f32
    %add3A_204 = arith.addf %add3A_193, %mul3A_203 : f32
    %get3A_205 = arith.constant 4 : index
    %get3A_206 = memref.load %arg0[%get3A_205] : memref<7xf32, #tpu.memory_space<smem>>
    %get3A_207 = arith.constant 4 : index
    %get3A_208 = memref.load %arg2[%get3A_207] : memref<7xf32, #tpu.memory_space<smem>>
    %get3A_209 = arith.constant 4 : index
    %get3A_210 = memref.load %arg1[%get3A_209] : memref<7xf32, #tpu.memory_space<smem>>
    %sub3A_211 = arith.subf %mul3A_163, %get3A_210 : f32
    %mul3A_212 = arith.mulf %get3A_208, %sub3A_211 : f32
    %tanh3A_213 = math.tanh %mul3A_212 : f32
    %mul3A_214 = arith.mulf %get3A_206, %tanh3A_213 : f32
    %add3A_215 = arith.addf %add3A_204, %mul3A_214 : f32
    %get3A_216 = arith.constant 5 : index
    %get3A_217 = memref.load %arg0[%get3A_216] : memref<7xf32, #tpu.memory_space<smem>>
    %get3A_218 = arith.constant 5 : index
    %get3A_219 = memref.load %arg2[%get3A_218] : memref<7xf32, #tpu.memory_space<smem>>
    %get3A_220 = arith.constant 5 : index
    %get3A_221 = memref.load %arg1[%get3A_220] : memref<7xf32, #tpu.memory_space<smem>>
    %sub3A_222 = arith.subf %mul3A_163, %get3A_221 : f32
    %mul3A_223 = arith.mulf %get3A_219, %sub3A_222 : f32
    %tanh3A_224 = math.tanh %mul3A_223 : f32
    %mul3A_225 = arith.mulf %get3A_217, %tanh3A_224 : f32
    %add3A_226 = arith.addf %add3A_215, %mul3A_225 : f32
    %get3A_227 = arith.constant 6 : index
    %get3A_228 = memref.load %arg0[%get3A_227] : memref<7xf32, #tpu.memory_space<smem>>
    %get3A_229 = arith.constant 6 : index
    %get3A_230 = memref.load %arg2[%get3A_229] : memref<7xf32, #tpu.memory_space<smem>>
    %get3A_231 = arith.constant 6 : index
    %get3A_232 = memref.load %arg1[%get3A_231] : memref<7xf32, #tpu.memory_space<smem>>
    %sub3A_233 = arith.subf %mul3A_163, %get3A_232 : f32
    %mul3A_234 = arith.mulf %get3A_230, %sub3A_233 : f32
    %tanh3A_235 = math.tanh %mul3A_234 : f32
    %mul3A_236 = arith.mulf %get3A_228, %tanh3A_235 : f32
    %add3A_237 = arith.addf %add3A_226, %mul3A_236 : f32
    %swap3A_238 = arith.constant 17 : index
    %swap3A_239 = memref.load %arg3[%swap3A_238] : memref<32xf32, #tpu.memory_space<smem>>
    memref.store %add3A_237, %arg3[%swap3A_238] : memref<32xf32, #tpu.memory_space<smem>>
    %get3A_240 = arith.constant 1 : index
    %get3A_241 = memref.load %arg1[%get3A_240] : memref<7xf32, #tpu.memory_space<smem>>
    %get3A_242 = arith.constant 2 : index
    %get3A_243 = memref.load %arg1[%get3A_242] : memref<7xf32, #tpu.memory_space<smem>>
    %add3A_244 = arith.addf %get3A_241, %get3A_243 : f32
    %mul3A_245 = arith.constant 5.000000e-01 : f32
    %mul3A_246 = arith.mulf %add3A_244, %mul3A_245 : f32
    %get3A_247 = arith.constant 0 : index
    %get3A_248 = memref.load %arg0[%get3A_247] : memref<7xf32, #tpu.memory_space<smem>>
    %get3A_249 = arith.constant 0 : index
    %get3A_250 = memref.load %arg2[%get3A_249] : memref<7xf32, #tpu.memory_space<smem>>
    %get3A_251 = arith.constant 0 : index
    %get3A_252 = memref.load %arg1[%get3A_251] : memref<7xf32, #tpu.memory_space<smem>>
    %sub3A_253 = arith.subf %mul3A_246, %get3A_252 : f32
    %mul3A_254 = arith.mulf %get3A_250, %sub3A_253 : f32
    %tanh3A_255 = math.tanh %mul3A_254 : f32
    %mul3A_256 = arith.mulf %get3A_248, %tanh3A_255 : f32
    %get3A_257 = arith.constant 1 : index
    %get3A_258 = memref.load %arg0[%get3A_257] : memref<7xf32, #tpu.memory_space<smem>>
    %get3A_259 = arith.constant 1 : index
    %get3A_260 = memref.load %arg2[%get3A_259] : memref<7xf32, #tpu.memory_space<smem>>
    %get3A_261 = arith.constant 1 : index
    %get3A_262 = memref.load %arg1[%get3A_261] : memref<7xf32, #tpu.memory_space<smem>>
    %sub3A_263 = arith.subf %mul3A_246, %get3A_262 : f32
    %mul3A_264 = arith.mulf %get3A_260, %sub3A_263 : f32
    %tanh3A_265 = math.tanh %mul3A_264 : f32
    %mul3A_266 = arith.mulf %get3A_258, %tanh3A_265 : f32
    %add3A_267 = arith.addf %mul3A_256, %mul3A_266 : f32
    %get3A_268 = arith.constant 2 : index
    %get3A_269 = memref.load %arg0[%get3A_268] : memref<7xf32, #tpu.memory_space<smem>>
    %get3A_270 = arith.constant 2 : index
    %get3A_271 = memref.load %arg2[%get3A_270] : memref<7xf32, #tpu.memory_space<smem>>
    %get3A_272 = arith.constant 2 : index
    %get3A_273 = memref.load %arg1[%get3A_272] : memref<7xf32, #tpu.memory_space<smem>>
    %sub3A_274 = arith.subf %mul3A_246, %get3A_273 : f32
    %mul3A_275 = arith.mulf %get3A_271, %sub3A_274 : f32
    %tanh3A_276 = math.tanh %mul3A_275 : f32
    %mul3A_277 = arith.mulf %get3A_269, %tanh3A_276 : f32
    %add3A_278 = arith.addf %add3A_267, %mul3A_277 : f32
    %get3A_279 = arith.constant 3 : index
    %get3A_280 = memref.load %arg0[%get3A_279] : memref<7xf32, #tpu.memory_space<smem>>
    %get3A_281 = arith.constant 3 : index
    %get3A_282 = memref.load %arg2[%get3A_281] : memref<7xf32, #tpu.memory_space<smem>>
    %get3A_283 = arith.constant 3 : index
    %get3A_284 = memref.load %arg1[%get3A_283] : memref<7xf32, #tpu.memory_space<smem>>
    %sub3A_285 = arith.subf %mul3A_246, %get3A_284 : f32
    %mul3A_286 = arith.mulf %get3A_282, %sub3A_285 : f32
    %tanh3A_287 = math.tanh %mul3A_286 : f32
    %mul3A_288 = arith.mulf %get3A_280, %tanh3A_287 : f32
    %add3A_289 = arith.addf %add3A_278, %mul3A_288 : f32
    %get3A_290 = arith.constant 4 : index
    %get3A_291 = memref.load %arg0[%get3A_290] : memref<7xf32, #tpu.memory_space<smem>>
    %get3A_292 = arith.constant 4 : index
    %get3A_293 = memref.load %arg2[%get3A_292] : memref<7xf32, #tpu.memory_space<smem>>
    %get3A_294 = arith.constant 4 : index
    %get3A_295 = memref.load %arg1[%get3A_294] : memref<7xf32, #tpu.memory_space<smem>>
    %sub3A_296 = arith.subf %mul3A_246, %get3A_295 : f32
    %mul3A_297 = arith.mulf %get3A_293, %sub3A_296 : f32
    %tanh3A_298 = math.tanh %mul3A_297 : f32
    %mul3A_299 = arith.mulf %get3A_291, %tanh3A_298 : f32
    %add3A_300 = arith.addf %add3A_289, %mul3A_299 : f32
    %get3A_301 = arith.constant 5 : index
    %get3A_302 = memref.load %arg0[%get3A_301] : memref<7xf32, #tpu.memory_space<smem>>
    %get3A_303 = arith.constant 5 : index
    %get3A_304 = memref.load %arg2[%get3A_303] : memref<7xf32, #tpu.memory_space<smem>>
    %get3A_305 = arith.constant 5 : index
    %get3A_306 = memref.load %arg1[%get3A_305] : memref<7xf32, #tpu.memory_space<smem>>
    %sub3A_307 = arith.subf %mul3A_246, %get3A_306 : f32
    %mul3A_308 = arith.mulf %get3A_304, %sub3A_307 : f32
    %tanh3A_309 = math.tanh %mul3A_308 : f32
    %mul3A_310 = arith.mulf %get3A_302, %tanh3A_309 : f32
    %add3A_311 = arith.addf %add3A_300, %mul3A_310 : f32
    %get3A_312 = arith.constant 6 : index
    %get3A_313 = memref.load %arg0[%get3A_312] : memref<7xf32, #tpu.memory_space<smem>>
    %get3A_314 = arith.constant 6 : index
    %get3A_315 = memref.load %arg2[%get3A_314] : memref<7xf32, #tpu.memory_space<smem>>
    %get3A_316 = arith.constant 6 : index
    %get3A_317 = memref.load %arg1[%get3A_316] : memref<7xf32, #tpu.memory_space<smem>>
    %sub3A_318 = arith.subf %mul3A_246, %get3A_317 : f32
    %mul3A_319 = arith.mulf %get3A_315, %sub3A_318 : f32
    %tanh3A_320 = math.tanh %mul3A_319 : f32
    %mul3A_321 = arith.mulf %get3A_313, %tanh3A_320 : f32
    %add3A_322 = arith.addf %add3A_311, %mul3A_321 : f32
    %swap3A_323 = arith.constant 18 : index
    %swap3A_324 = memref.load %arg3[%swap3A_323] : memref<32xf32, #tpu.memory_space<smem>>
    memref.store %add3A_322, %arg3[%swap3A_323] : memref<32xf32, #tpu.memory_space<smem>>
    %get3A_325 = arith.constant 2 : index
    %get3A_326 = memref.load %arg1[%get3A_325] : memref<7xf32, #tpu.memory_space<smem>>
    %get3A_327 = arith.constant 3 : index
    %get3A_328 = memref.load %arg1[%get3A_327] : memref<7xf32, #tpu.memory_space<smem>>
    %add3A_329 = arith.addf %get3A_326, %get3A_328 : f32
    %mul3A_330 = arith.constant 5.000000e-01 : f32
    %mul3A_331 = arith.mulf %add3A_329, %mul3A_330 : f32
    %get3A_332 = arith.constant 0 : index
    %get3A_333 = memref.load %arg0[%get3A_332] : memref<7xf32, #tpu.memory_space<smem>>
    %get3A_334 = arith.constant 0 : index
    %get3A_335 = memref.load %arg2[%get3A_334] : memref<7xf32, #tpu.memory_space<smem>>
    %get3A_336 = arith.constant 0 : index
    %get3A_337 = memref.load %arg1[%get3A_336] : memref<7xf32, #tpu.memory_space<smem>>
    %sub3A_338 = arith.subf %mul3A_331, %get3A_337 : f32
    %mul3A_339 = arith.mulf %get3A_335, %sub3A_338 : f32
    %tanh3A_340 = math.tanh %mul3A_339 : f32
    %mul3A_341 = arith.mulf %get3A_333, %tanh3A_340 : f32
    %get3A_342 = arith.constant 1 : index
    %get3A_343 = memref.load %arg0[%get3A_342] : memref<7xf32, #tpu.memory_space<smem>>
    %get3A_344 = arith.constant 1 : index
    %get3A_345 = memref.load %arg2[%get3A_344] : memref<7xf32, #tpu.memory_space<smem>>
    %get3A_346 = arith.constant 1 : index
    %get3A_347 = memref.load %arg1[%get3A_346] : memref<7xf32, #tpu.memory_space<smem>>
    %sub3A_348 = arith.subf %mul3A_331, %get3A_347 : f32
    %mul3A_349 = arith.mulf %get3A_345, %sub3A_348 : f32
    %tanh3A_350 = math.tanh %mul3A_349 : f32
    %mul3A_351 = arith.mulf %get3A_343, %tanh3A_350 : f32
    %add3A_352 = arith.addf %mul3A_341, %mul3A_351 : f32
    %get3A_353 = arith.constant 2 : index
    %get3A_354 = memref.load %arg0[%get3A_353] : memref<7xf32, #tpu.memory_space<smem>>
    %get3A_355 = arith.constant 2 : index
    %get3A_356 = memref.load %arg2[%get3A_355] : memref<7xf32, #tpu.memory_space<smem>>
    %get3A_357 = arith.constant 2 : index
    %get3A_358 = memref.load %arg1[%get3A_357] : memref<7xf32, #tpu.memory_space<smem>>
    %sub3A_359 = arith.subf %mul3A_331, %get3A_358 : f32
    %mul3A_360 = arith.mulf %get3A_356, %sub3A_359 : f32
    %tanh3A_361 = math.tanh %mul3A_360 : f32
    %mul3A_362 = arith.mulf %get3A_354, %tanh3A_361 : f32
    %add3A_363 = arith.addf %add3A_352, %mul3A_362 : f32
    %get3A_364 = arith.constant 3 : index
    %get3A_365 = memref.load %arg0[%get3A_364] : memref<7xf32, #tpu.memory_space<smem>>
    %get3A_366 = arith.constant 3 : index
    %get3A_367 = memref.load %arg2[%get3A_366] : memref<7xf32, #tpu.memory_space<smem>>
    %get3A_368 = arith.constant 3 : index
    %get3A_369 = memref.load %arg1[%get3A_368] : memref<7xf32, #tpu.memory_space<smem>>
    %sub3A_370 = arith.subf %mul3A_331, %get3A_369 : f32
    %mul3A_371 = arith.mulf %get3A_367, %sub3A_370 : f32
    %tanh3A_372 = math.tanh %mul3A_371 : f32
    %mul3A_373 = arith.mulf %get3A_365, %tanh3A_372 : f32
    %add3A_374 = arith.addf %add3A_363, %mul3A_373 : f32
    %get3A_375 = arith.constant 4 : index
    %get3A_376 = memref.load %arg0[%get3A_375] : memref<7xf32, #tpu.memory_space<smem>>
    %get3A_377 = arith.constant 4 : index
    %get3A_378 = memref.load %arg2[%get3A_377] : memref<7xf32, #tpu.memory_space<smem>>
    %get3A_379 = arith.constant 4 : index
    %get3A_380 = memref.load %arg1[%get3A_379] : memref<7xf32, #tpu.memory_space<smem>>
    %sub3A_381 = arith.subf %mul3A_331, %get3A_380 : f32
    %mul3A_382 = arith.mulf %get3A_378, %sub3A_381 : f32
    %tanh3A_383 = math.tanh %mul3A_382 : f32
    %mul3A_384 = arith.mulf %get3A_376, %tanh3A_383 : f32
    %add3A_385 = arith.addf %add3A_374, %mul3A_384 : f32
    %get3A_386 = arith.constant 5 : index
    %get3A_387 = memref.load %arg0[%get3A_386] : memref<7xf32, #tpu.memory_space<smem>>
    %get3A_388 = arith.constant 5 : index
    %get3A_389 = memref.load %arg2[%get3A_388] : memref<7xf32, #tpu.memory_space<smem>>
    %get3A_390 = arith.constant 5 : index
    %get3A_391 = memref.load %arg1[%get3A_390] : memref<7xf32, #tpu.memory_space<smem>>
    %sub3A_392 = arith.subf %mul3A_331, %get3A_391 : f32
    %mul3A_393 = arith.mulf %get3A_389, %sub3A_392 : f32
    %tanh3A_394 = math.tanh %mul3A_393 : f32
    %mul3A_395 = arith.mulf %get3A_387, %tanh3A_394 : f32
    %add3A_396 = arith.addf %add3A_385, %mul3A_395 : f32
    %get3A_397 = arith.constant 6 : index
    %get3A_398 = memref.load %arg0[%get3A_397] : memref<7xf32, #tpu.memory_space<smem>>
    %get3A_399 = arith.constant 6 : index
    %get3A_400 = memref.load %arg2[%get3A_399] : memref<7xf32, #tpu.memory_space<smem>>
    %get3A_401 = arith.constant 6 : index
    %get3A_402 = memref.load %arg1[%get3A_401] : memref<7xf32, #tpu.memory_space<smem>>
    %sub3A_403 = arith.subf %mul3A_331, %get3A_402 : f32
    %mul3A_404 = arith.mulf %get3A_400, %sub3A_403 : f32
    %tanh3A_405 = math.tanh %mul3A_404 : f32
    %mul3A_406 = arith.mulf %get3A_398, %tanh3A_405 : f32
    %add3A_407 = arith.addf %add3A_396, %mul3A_406 : f32
    %swap3A_408 = arith.constant 19 : index
    %swap3A_409 = memref.load %arg3[%swap3A_408] : memref<32xf32, #tpu.memory_space<smem>>
    memref.store %add3A_407, %arg3[%swap3A_408] : memref<32xf32, #tpu.memory_space<smem>>
    %get3A_410 = arith.constant 3 : index
    %get3A_411 = memref.load %arg1[%get3A_410] : memref<7xf32, #tpu.memory_space<smem>>
    %get3A_412 = arith.constant 4 : index
    %get3A_413 = memref.load %arg1[%get3A_412] : memref<7xf32, #tpu.memory_space<smem>>
    %add3A_414 = arith.addf %get3A_411, %get3A_413 : f32
    %mul3A_415 = arith.constant 5.000000e-01 : f32
    %mul3A_416 = arith.mulf %add3A_414, %mul3A_415 : f32
    %get3A_417 = arith.constant 0 : index
    %get3A_418 = memref.load %arg0[%get3A_417] : memref<7xf32, #tpu.memory_space<smem>>
    %get3A_419 = arith.constant 0 : index
    %get3A_420 = memref.load %arg2[%get3A_419] : memref<7xf32, #tpu.memory_space<smem>>
    %get3A_421 = arith.constant 0 : index
    %get3A_422 = memref.load %arg1[%get3A_421] : memref<7xf32, #tpu.memory_space<smem>>
    %sub3A_423 = arith.subf %mul3A_416, %get3A_422 : f32
    %mul3A_424 = arith.mulf %get3A_420, %sub3A_423 : f32
    %tanh3A_425 = math.tanh %mul3A_424 : f32
    %mul3A_426 = arith.mulf %get3A_418, %tanh3A_425 : f32
    %get3A_427 = arith.constant 1 : index
    %get3A_428 = memref.load %arg0[%get3A_427] : memref<7xf32, #tpu.memory_space<smem>>
    %get3A_429 = arith.constant 1 : index
    %get3A_430 = memref.load %arg2[%get3A_429] : memref<7xf32, #tpu.memory_space<smem>>
    %get3A_431 = arith.constant 1 : index
    %get3A_432 = memref.load %arg1[%get3A_431] : memref<7xf32, #tpu.memory_space<smem>>
    %sub3A_433 = arith.subf %mul3A_416, %get3A_432 : f32
    %mul3A_434 = arith.mulf %get3A_430, %sub3A_433 : f32
    %tanh3A_435 = math.tanh %mul3A_434 : f32
    %mul3A_436 = arith.mulf %get3A_428, %tanh3A_435 : f32
    %add3A_437 = arith.addf %mul3A_426, %mul3A_436 : f32
    %get3A_438 = arith.constant 2 : index
    %get3A_439 = memref.load %arg0[%get3A_438] : memref<7xf32, #tpu.memory_space<smem>>
    %get3A_440 = arith.constant 2 : index
    %get3A_441 = memref.load %arg2[%get3A_440] : memref<7xf32, #tpu.memory_space<smem>>
    %get3A_442 = arith.constant 2 : index
    %get3A_443 = memref.load %arg1[%get3A_442] : memref<7xf32, #tpu.memory_space<smem>>
    %sub3A_444 = arith.subf %mul3A_416, %get3A_443 : f32
    %mul3A_445 = arith.mulf %get3A_441, %sub3A_444 : f32
    %tanh3A_446 = math.tanh %mul3A_445 : f32
    %mul3A_447 = arith.mulf %get3A_439, %tanh3A_446 : f32
    %add3A_448 = arith.addf %add3A_437, %mul3A_447 : f32
    %get3A_449 = arith.constant 3 : index
    %get3A_450 = memref.load %arg0[%get3A_449] : memref<7xf32, #tpu.memory_space<smem>>
    %get3A_451 = arith.constant 3 : index
    %get3A_452 = memref.load %arg2[%get3A_451] : memref<7xf32, #tpu.memory_space<smem>>
    %get3A_453 = arith.constant 3 : index
    %get3A_454 = memref.load %arg1[%get3A_453] : memref<7xf32, #tpu.memory_space<smem>>
    %sub3A_455 = arith.subf %mul3A_416, %get3A_454 : f32
    %mul3A_456 = arith.mulf %get3A_452, %sub3A_455 : f32
    %tanh3A_457 = math.tanh %mul3A_456 : f32
    %mul3A_458 = arith.mulf %get3A_450, %tanh3A_457 : f32
    %add3A_459 = arith.addf %add3A_448, %mul3A_458 : f32
    %get3A_460 = arith.constant 4 : index
    %get3A_461 = memref.load %arg0[%get3A_460] : memref<7xf32, #tpu.memory_space<smem>>
    %get3A_462 = arith.constant 4 : index
    %get3A_463 = memref.load %arg2[%get3A_462] : memref<7xf32, #tpu.memory_space<smem>>
    %get3A_464 = arith.constant 4 : index
    %get3A_465 = memref.load %arg1[%get3A_464] : memref<7xf32, #tpu.memory_space<smem>>
    %sub3A_466 = arith.subf %mul3A_416, %get3A_465 : f32
    %mul3A_467 = arith.mulf %get3A_463, %sub3A_466 : f32
    %tanh3A_468 = math.tanh %mul3A_467 : f32
    %mul3A_469 = arith.mulf %get3A_461, %tanh3A_468 : f32
    %add3A_470 = arith.addf %add3A_459, %mul3A_469 : f32
    %get3A_471 = arith.constant 5 : index
    %get3A_472 = memref.load %arg0[%get3A_471] : memref<7xf32, #tpu.memory_space<smem>>
    %get3A_473 = arith.constant 5 : index
    %get3A_474 = memref.load %arg2[%get3A_473] : memref<7xf32, #tpu.memory_space<smem>>
    %get3A_475 = arith.constant 5 : index
    %get3A_476 = memref.load %arg1[%get3A_475] : memref<7xf32, #tpu.memory_space<smem>>
    %sub3A_477 = arith.subf %mul3A_416, %get3A_476 : f32
    %mul3A_478 = arith.mulf %get3A_474, %sub3A_477 : f32
    %tanh3A_479 = math.tanh %mul3A_478 : f32
    %mul3A_480 = arith.mulf %get3A_472, %tanh3A_479 : f32
    %add3A_481 = arith.addf %add3A_470, %mul3A_480 : f32
    %get3A_482 = arith.constant 6 : index
    %get3A_483 = memref.load %arg0[%get3A_482] : memref<7xf32, #tpu.memory_space<smem>>
    %get3A_484 = arith.constant 6 : index
    %get3A_485 = memref.load %arg2[%get3A_484] : memref<7xf32, #tpu.memory_space<smem>>
    %get3A_486 = arith.constant 6 : index
    %get3A_487 = memref.load %arg1[%get3A_486] : memref<7xf32, #tpu.memory_space<smem>>
    %sub3A_488 = arith.subf %mul3A_416, %get3A_487 : f32
    %mul3A_489 = arith.mulf %get3A_485, %sub3A_488 : f32
    %tanh3A_490 = math.tanh %mul3A_489 : f32
    %mul3A_491 = arith.mulf %get3A_483, %tanh3A_490 : f32
    %add3A_492 = arith.addf %add3A_481, %mul3A_491 : f32
    %swap3A_493 = arith.constant 20 : index
    %swap3A_494 = memref.load %arg3[%swap3A_493] : memref<32xf32, #tpu.memory_space<smem>>
    memref.store %add3A_492, %arg3[%swap3A_493] : memref<32xf32, #tpu.memory_space<smem>>
    %get3A_495 = arith.constant 4 : index
    %get3A_496 = memref.load %arg1[%get3A_495] : memref<7xf32, #tpu.memory_space<smem>>
    %get3A_497 = arith.constant 5 : index
    %get3A_498 = memref.load %arg1[%get3A_497] : memref<7xf32, #tpu.memory_space<smem>>
    %add3A_499 = arith.addf %get3A_496, %get3A_498 : f32
    %mul3A_500 = arith.constant 5.000000e-01 : f32
    %mul3A_501 = arith.mulf %add3A_499, %mul3A_500 : f32
    %get3A_502 = arith.constant 0 : index
    %get3A_503 = memref.load %arg0[%get3A_502] : memref<7xf32, #tpu.memory_space<smem>>
    %get3A_504 = arith.constant 0 : index
    %get3A_505 = memref.load %arg2[%get3A_504] : memref<7xf32, #tpu.memory_space<smem>>
    %get3A_506 = arith.constant 0 : index
    %get3A_507 = memref.load %arg1[%get3A_506] : memref<7xf32, #tpu.memory_space<smem>>
    %sub3A_508 = arith.subf %mul3A_501, %get3A_507 : f32
    %mul3A_509 = arith.mulf %get3A_505, %sub3A_508 : f32
    %tanh3A_510 = math.tanh %mul3A_509 : f32
    %mul3A_511 = arith.mulf %get3A_503, %tanh3A_510 : f32
    %get3A_512 = arith.constant 1 : index
    %get3A_513 = memref.load %arg0[%get3A_512] : memref<7xf32, #tpu.memory_space<smem>>
    %get3A_514 = arith.constant 1 : index
    %get3A_515 = memref.load %arg2[%get3A_514] : memref<7xf32, #tpu.memory_space<smem>>
    %get3A_516 = arith.constant 1 : index
    %get3A_517 = memref.load %arg1[%get3A_516] : memref<7xf32, #tpu.memory_space<smem>>
    %sub3A_518 = arith.subf %mul3A_501, %get3A_517 : f32
    %mul3A_519 = arith.mulf %get3A_515, %sub3A_518 : f32
    %tanh3A_520 = math.tanh %mul3A_519 : f32
    %mul3A_521 = arith.mulf %get3A_513, %tanh3A_520 : f32
    %add3A_522 = arith.addf %mul3A_511, %mul3A_521 : f32
    %get3A_523 = arith.constant 2 : index
    %get3A_524 = memref.load %arg0[%get3A_523] : memref<7xf32, #tpu.memory_space<smem>>
    %get3A_525 = arith.constant 2 : index
    %get3A_526 = memref.load %arg2[%get3A_525] : memref<7xf32, #tpu.memory_space<smem>>
    %get3A_527 = arith.constant 2 : index
    %get3A_528 = memref.load %arg1[%get3A_527] : memref<7xf32, #tpu.memory_space<smem>>
    %sub3A_529 = arith.subf %mul3A_501, %get3A_528 : f32
    %mul3A_530 = arith.mulf %get3A_526, %sub3A_529 : f32
    %tanh3A_531 = math.tanh %mul3A_530 : f32
    %mul3A_532 = arith.mulf %get3A_524, %tanh3A_531 : f32
    %add3A_533 = arith.addf %add3A_522, %mul3A_532 : f32
    %get3A_534 = arith.constant 3 : index
    %get3A_535 = memref.load %arg0[%get3A_534] : memref<7xf32, #tpu.memory_space<smem>>
    %get3A_536 = arith.constant 3 : index
    %get3A_537 = memref.load %arg2[%get3A_536] : memref<7xf32, #tpu.memory_space<smem>>
    %get3A_538 = arith.constant 3 : index
    %get3A_539 = memref.load %arg1[%get3A_538] : memref<7xf32, #tpu.memory_space<smem>>
    %sub3A_540 = arith.subf %mul3A_501, %get3A_539 : f32
    %mul3A_541 = arith.mulf %get3A_537, %sub3A_540 : f32
    %tanh3A_542 = math.tanh %mul3A_541 : f32
    %mul3A_543 = arith.mulf %get3A_535, %tanh3A_542 : f32
    %add3A_544 = arith.addf %add3A_533, %mul3A_543 : f32
    %get3A_545 = arith.constant 4 : index
    %get3A_546 = memref.load %arg0[%get3A_545] : memref<7xf32, #tpu.memory_space<smem>>
    %get3A_547 = arith.constant 4 : index
    %get3A_548 = memref.load %arg2[%get3A_547] : memref<7xf32, #tpu.memory_space<smem>>
    %get3A_549 = arith.constant 4 : index
    %get3A_550 = memref.load %arg1[%get3A_549] : memref<7xf32, #tpu.memory_space<smem>>
    %sub3A_551 = arith.subf %mul3A_501, %get3A_550 : f32
    %mul3A_552 = arith.mulf %get3A_548, %sub3A_551 : f32
    %tanh3A_553 = math.tanh %mul3A_552 : f32
    %mul3A_554 = arith.mulf %get3A_546, %tanh3A_553 : f32
    %add3A_555 = arith.addf %add3A_544, %mul3A_554 : f32
    %get3A_556 = arith.constant 5 : index
    %get3A_557 = memref.load %arg0[%get3A_556] : memref<7xf32, #tpu.memory_space<smem>>
    %get3A_558 = arith.constant 5 : index
    %get3A_559 = memref.load %arg2[%get3A_558] : memref<7xf32, #tpu.memory_space<smem>>
    %get3A_560 = arith.constant 5 : index
    %get3A_561 = memref.load %arg1[%get3A_560] : memref<7xf32, #tpu.memory_space<smem>>
    %sub3A_562 = arith.subf %mul3A_501, %get3A_561 : f32
    %mul3A_563 = arith.mulf %get3A_559, %sub3A_562 : f32
    %tanh3A_564 = math.tanh %mul3A_563 : f32
    %mul3A_565 = arith.mulf %get3A_557, %tanh3A_564 : f32
    %add3A_566 = arith.addf %add3A_555, %mul3A_565 : f32
    %get3A_567 = arith.constant 6 : index
    %get3A_568 = memref.load %arg0[%get3A_567] : memref<7xf32, #tpu.memory_space<smem>>
    %get3A_569 = arith.constant 6 : index
    %get3A_570 = memref.load %arg2[%get3A_569] : memref<7xf32, #tpu.memory_space<smem>>
    %get3A_571 = arith.constant 6 : index
    %get3A_572 = memref.load %arg1[%get3A_571] : memref<7xf32, #tpu.memory_space<smem>>
    %sub3A_573 = arith.subf %mul3A_501, %get3A_572 : f32
    %mul3A_574 = arith.mulf %get3A_570, %sub3A_573 : f32
    %tanh3A_575 = math.tanh %mul3A_574 : f32
    %mul3A_576 = arith.mulf %get3A_568, %tanh3A_575 : f32
    %add3A_577 = arith.addf %add3A_566, %mul3A_576 : f32
    %swap3A_578 = arith.constant 21 : index
    %swap3A_579 = memref.load %arg3[%swap3A_578] : memref<32xf32, #tpu.memory_space<smem>>
    memref.store %add3A_577, %arg3[%swap3A_578] : memref<32xf32, #tpu.memory_space<smem>>
    %get3A_580 = arith.constant 5 : index
    %get3A_581 = memref.load %arg1[%get3A_580] : memref<7xf32, #tpu.memory_space<smem>>
    %get3A_582 = arith.constant 6 : index
    %get3A_583 = memref.load %arg1[%get3A_582] : memref<7xf32, #tpu.memory_space<smem>>
    %add3A_584 = arith.addf %get3A_581, %get3A_583 : f32
    %mul3A_585 = arith.constant 5.000000e-01 : f32
    %mul3A_586 = arith.mulf %add3A_584, %mul3A_585 : f32
    %get3A_587 = arith.constant 0 : index
    %get3A_588 = memref.load %arg0[%get3A_587] : memref<7xf32, #tpu.memory_space<smem>>
    %get3A_589 = arith.constant 0 : index
    %get3A_590 = memref.load %arg2[%get3A_589] : memref<7xf32, #tpu.memory_space<smem>>
    %get3A_591 = arith.constant 0 : index
    %get3A_592 = memref.load %arg1[%get3A_591] : memref<7xf32, #tpu.memory_space<smem>>
    %sub3A_593 = arith.subf %mul3A_586, %get3A_592 : f32
    %mul3A_594 = arith.mulf %get3A_590, %sub3A_593 : f32
    %tanh3A_595 = math.tanh %mul3A_594 : f32
    %mul3A_596 = arith.mulf %get3A_588, %tanh3A_595 : f32
    %get3A_597 = arith.constant 1 : index
    %get3A_598 = memref.load %arg0[%get3A_597] : memref<7xf32, #tpu.memory_space<smem>>
    %get3A_599 = arith.constant 1 : index
    %get3A_600 = memref.load %arg2[%get3A_599] : memref<7xf32, #tpu.memory_space<smem>>
    %get3A_601 = arith.constant 1 : index
    %get3A_602 = memref.load %arg1[%get3A_601] : memref<7xf32, #tpu.memory_space<smem>>
    %sub3A_603 = arith.subf %mul3A_586, %get3A_602 : f32
    %mul3A_604 = arith.mulf %get3A_600, %sub3A_603 : f32
    %tanh3A_605 = math.tanh %mul3A_604 : f32
    %mul3A_606 = arith.mulf %get3A_598, %tanh3A_605 : f32
    %add3A_607 = arith.addf %mul3A_596, %mul3A_606 : f32
    %get3A_608 = arith.constant 2 : index
    %get3A_609 = memref.load %arg0[%get3A_608] : memref<7xf32, #tpu.memory_space<smem>>
    %get3A_610 = arith.constant 2 : index
    %get3A_611 = memref.load %arg2[%get3A_610] : memref<7xf32, #tpu.memory_space<smem>>
    %get3A_612 = arith.constant 2 : index
    %get3A_613 = memref.load %arg1[%get3A_612] : memref<7xf32, #tpu.memory_space<smem>>
    %sub3A_614 = arith.subf %mul3A_586, %get3A_613 : f32
    %mul3A_615 = arith.mulf %get3A_611, %sub3A_614 : f32
    %tanh3A_616 = math.tanh %mul3A_615 : f32
    %mul3A_617 = arith.mulf %get3A_609, %tanh3A_616 : f32
    %add3A_618 = arith.addf %add3A_607, %mul3A_617 : f32
    %get3A_619 = arith.constant 3 : index
    %get3A_620 = memref.load %arg0[%get3A_619] : memref<7xf32, #tpu.memory_space<smem>>
    %get3A_621 = arith.constant 3 : index
    %get3A_622 = memref.load %arg2[%get3A_621] : memref<7xf32, #tpu.memory_space<smem>>
    %get3A_623 = arith.constant 3 : index
    %get3A_624 = memref.load %arg1[%get3A_623] : memref<7xf32, #tpu.memory_space<smem>>
    %sub3A_625 = arith.subf %mul3A_586, %get3A_624 : f32
    %mul3A_626 = arith.mulf %get3A_622, %sub3A_625 : f32
    %tanh3A_627 = math.tanh %mul3A_626 : f32
    %mul3A_628 = arith.mulf %get3A_620, %tanh3A_627 : f32
    %add3A_629 = arith.addf %add3A_618, %mul3A_628 : f32
    %get3A_630 = arith.constant 4 : index
    %get3A_631 = memref.load %arg0[%get3A_630] : memref<7xf32, #tpu.memory_space<smem>>
    %get3A_632 = arith.constant 4 : index
    %get3A_633 = memref.load %arg2[%get3A_632] : memref<7xf32, #tpu.memory_space<smem>>
    %get3A_634 = arith.constant 4 : index
    %get3A_635 = memref.load %arg1[%get3A_634] : memref<7xf32, #tpu.memory_space<smem>>
    %sub3A_636 = arith.subf %mul3A_586, %get3A_635 : f32
    %mul3A_637 = arith.mulf %get3A_633, %sub3A_636 : f32
    %tanh3A_638 = math.tanh %mul3A_637 : f32
    %mul3A_639 = arith.mulf %get3A_631, %tanh3A_638 : f32
    %add3A_640 = arith.addf %add3A_629, %mul3A_639 : f32
    %get3A_641 = arith.constant 5 : index
    %get3A_642 = memref.load %arg0[%get3A_641] : memref<7xf32, #tpu.memory_space<smem>>
    %get3A_643 = arith.constant 5 : index
    %get3A_644 = memref.load %arg2[%get3A_643] : memref<7xf32, #tpu.memory_space<smem>>
    %get3A_645 = arith.constant 5 : index
    %get3A_646 = memref.load %arg1[%get3A_645] : memref<7xf32, #tpu.memory_space<smem>>
    %sub3A_647 = arith.subf %mul3A_586, %get3A_646 : f32
    %mul3A_648 = arith.mulf %get3A_644, %sub3A_647 : f32
    %tanh3A_649 = math.tanh %mul3A_648 : f32
    %mul3A_650 = arith.mulf %get3A_642, %tanh3A_649 : f32
    %add3A_651 = arith.addf %add3A_640, %mul3A_650 : f32
    %get3A_652 = arith.constant 6 : index
    %get3A_653 = memref.load %arg0[%get3A_652] : memref<7xf32, #tpu.memory_space<smem>>
    %get3A_654 = arith.constant 6 : index
    %get3A_655 = memref.load %arg2[%get3A_654] : memref<7xf32, #tpu.memory_space<smem>>
    %get3A_656 = arith.constant 6 : index
    %get3A_657 = memref.load %arg1[%get3A_656] : memref<7xf32, #tpu.memory_space<smem>>
    %sub3A_658 = arith.subf %mul3A_586, %get3A_657 : f32
    %mul3A_659 = arith.mulf %get3A_655, %sub3A_658 : f32
    %tanh3A_660 = math.tanh %mul3A_659 : f32
    %mul3A_661 = arith.mulf %get3A_653, %tanh3A_660 : f32
    %add3A_662 = arith.addf %add3A_651, %mul3A_661 : f32
    %swap3A_663 = arith.constant 22 : index
    %swap3A_664 = memref.load %arg3[%swap3A_663] : memref<32xf32, #tpu.memory_space<smem>>
    memref.store %add3A_662, %arg3[%swap3A_663] : memref<32xf32, #tpu.memory_space<smem>>
    %swap3A_665 = arith.constant 0.000000e+00 : f32
    %swap3A_666 = arith.constant 24 : index
    %swap3A_667 = memref.load %arg3[%swap3A_666] : memref<32xf32, #tpu.memory_space<smem>>
    memref.store %swap3A_665, %arg3[%swap3A_666] : memref<32xf32, #tpu.memory_space<smem>>
    %swap3A_668 = arith.constant 0.000000e+00 : f32
    %swap3A_669 = arith.constant 25 : index
    %swap3A_670 = memref.load %arg3[%swap3A_669] : memref<32xf32, #tpu.memory_space<smem>>
    memref.store %swap3A_668, %arg3[%swap3A_669] : memref<32xf32, #tpu.memory_space<smem>>
    %swap3A_671 = arith.constant 0.000000e+00 : f32
    %swap3A_672 = arith.constant 26 : index
    %swap3A_673 = memref.load %arg3[%swap3A_672] : memref<32xf32, #tpu.memory_space<smem>>
    memref.store %swap3A_671, %arg3[%swap3A_672] : memref<32xf32, #tpu.memory_space<smem>>
    %swap3A_674 = arith.constant 0.000000e+00 : f32
    %swap3A_675 = arith.constant 27 : index
    %swap3A_676 = memref.load %arg3[%swap3A_675] : memref<32xf32, #tpu.memory_space<smem>>
    memref.store %swap3A_674, %arg3[%swap3A_675] : memref<32xf32, #tpu.memory_space<smem>>
    %swap3A_677 = arith.constant 0.000000e+00 : f32
    %swap3A_678 = arith.constant 28 : index
    %swap3A_679 = memref.load %arg3[%swap3A_678] : memref<32xf32, #tpu.memory_space<smem>>
    memref.store %swap3A_677, %arg3[%swap3A_678] : memref<32xf32, #tpu.memory_space<smem>>
    %swap3A_680 = arith.constant 0.000000e+00 : f32
    %swap3A_681 = arith.constant 29 : index
    %swap3A_682 = memref.load %arg3[%swap3A_681] : memref<32xf32, #tpu.memory_space<smem>>
    memref.store %swap3A_680, %arg3[%swap3A_681] : memref<32xf32, #tpu.memory_space<smem>>
    %swap3A_683 = arith.constant 0.000000e+00 : f32
    %swap3A_684 = arith.constant 30 : index
    %swap3A_685 = memref.load %arg3[%swap3A_684] : memref<32xf32, #tpu.memory_space<smem>>
    memref.store %swap3A_683, %arg3[%swap3A_684] : memref<32xf32, #tpu.memory_space<smem>>
    %swap3A_686 = arith.constant 0.000000e+00 : f32
    %swap3A_687 = arith.constant 31 : index
    %swap3A_688 = memref.load %arg3[%swap3A_687] : memref<32xf32, #tpu.memory_space<smem>>
    memref.store %swap3A_686, %arg3[%swap3A_687] : memref<32xf32, #tpu.memory_space<smem>>
    return
  }
}

module attributes {stable_mosaic.version = 14 : i64} {
  func.func @_tc_body(%arg0: i32, %arg1: memref<32xf32, #tpu.memory_space<smem>>, %arg2: memref<1048576xf32, #tpu.memory_space<vmem>>, %arg3: memref<1048576xf32, #tpu.memory_space<vmem>>) attributes {dimension_semantics = [#tpu.dimension_semantics<arbitrary>], iteration_bounds = array<i64: 3>, scalar_prefetch = 0 : i64, scratch_operands = 0 : i64, tpu.core_type = #tpu.core_type<tc>, window_params = [{transform_indices = @transform_0, window_bounds = array<i64: 32>}, {transform_indices = @transform_1, window_bounds = array<i64: 1048576>}, {transform_indices = @transform_2, window_bounds = array<i64: 1048576>}]} {
    %get3A = arith.constant 0 : index
    %get3A_0 = vector.load %arg2[%get3A] : memref<1048576xf32, #tpu.memory_space<vmem>>, vector<1048576xf32>
    %get3A_1 = arith.constant 16 : index
    %get3A_2 = memref.load %arg1[%get3A_1] : memref<32xf32, #tpu.memory_space<smem>>
    %broadcast_in_dim3A = vector.broadcast %get3A_2 : f32 to vector<1048576xf32>
    %get3A_3 = arith.constant 0 : index
    %get3A_4 = memref.load %arg1[%get3A_3] : memref<32xf32, #tpu.memory_space<smem>>
    %ge3A = vector.broadcast %get3A_4 : f32 to vector<1048576xf32>
    %ge3A_5 = arith.cmpf oge, %get3A_0, %ge3A : vector<1048576xf32>
    %get3A_6 = arith.constant 17 : index
    %get3A_7 = memref.load %arg1[%get3A_6] : memref<32xf32, #tpu.memory_space<smem>>
    %broadcast_in_dim3A_8 = vector.broadcast %get3A_7 : f32 to vector<1048576xf32>
    %select_n3A = arith.select %ge3A_5, %broadcast_in_dim3A_8, %broadcast_in_dim3A : vector<1048576xi1>, vector<1048576xf32>
    %get3A_9 = arith.constant 1 : index
    %get3A_10 = memref.load %arg1[%get3A_9] : memref<32xf32, #tpu.memory_space<smem>>
    %ge3A_11 = vector.broadcast %get3A_10 : f32 to vector<1048576xf32>
    %ge3A_12 = arith.cmpf oge, %get3A_0, %ge3A_11 : vector<1048576xf32>
    %get3A_13 = arith.constant 18 : index
    %get3A_14 = memref.load %arg1[%get3A_13] : memref<32xf32, #tpu.memory_space<smem>>
    %broadcast_in_dim3A_15 = vector.broadcast %get3A_14 : f32 to vector<1048576xf32>
    %select_n3A_16 = arith.select %ge3A_12, %broadcast_in_dim3A_15, %select_n3A : vector<1048576xi1>, vector<1048576xf32>
    %get3A_17 = arith.constant 2 : index
    %get3A_18 = memref.load %arg1[%get3A_17] : memref<32xf32, #tpu.memory_space<smem>>
    %ge3A_19 = vector.broadcast %get3A_18 : f32 to vector<1048576xf32>
    %ge3A_20 = arith.cmpf oge, %get3A_0, %ge3A_19 : vector<1048576xf32>
    %get3A_21 = arith.constant 19 : index
    %get3A_22 = memref.load %arg1[%get3A_21] : memref<32xf32, #tpu.memory_space<smem>>
    %broadcast_in_dim3A_23 = vector.broadcast %get3A_22 : f32 to vector<1048576xf32>
    %select_n3A_24 = arith.select %ge3A_20, %broadcast_in_dim3A_23, %select_n3A_16 : vector<1048576xi1>, vector<1048576xf32>
    %get3A_25 = arith.constant 3 : index
    %get3A_26 = memref.load %arg1[%get3A_25] : memref<32xf32, #tpu.memory_space<smem>>
    %ge3A_27 = vector.broadcast %get3A_26 : f32 to vector<1048576xf32>
    %ge3A_28 = arith.cmpf oge, %get3A_0, %ge3A_27 : vector<1048576xf32>
    %get3A_29 = arith.constant 20 : index
    %get3A_30 = memref.load %arg1[%get3A_29] : memref<32xf32, #tpu.memory_space<smem>>
    %broadcast_in_dim3A_31 = vector.broadcast %get3A_30 : f32 to vector<1048576xf32>
    %select_n3A_32 = arith.select %ge3A_28, %broadcast_in_dim3A_31, %select_n3A_24 : vector<1048576xi1>, vector<1048576xf32>
    %get3A_33 = arith.constant 4 : index
    %get3A_34 = memref.load %arg1[%get3A_33] : memref<32xf32, #tpu.memory_space<smem>>
    %ge3A_35 = vector.broadcast %get3A_34 : f32 to vector<1048576xf32>
    %ge3A_36 = arith.cmpf oge, %get3A_0, %ge3A_35 : vector<1048576xf32>
    %get3A_37 = arith.constant 21 : index
    %get3A_38 = memref.load %arg1[%get3A_37] : memref<32xf32, #tpu.memory_space<smem>>
    %broadcast_in_dim3A_39 = vector.broadcast %get3A_38 : f32 to vector<1048576xf32>
    %select_n3A_40 = arith.select %ge3A_36, %broadcast_in_dim3A_39, %select_n3A_32 : vector<1048576xi1>, vector<1048576xf32>
    %get3A_41 = arith.constant 5 : index
    %get3A_42 = memref.load %arg1[%get3A_41] : memref<32xf32, #tpu.memory_space<smem>>
    %ge3A_43 = vector.broadcast %get3A_42 : f32 to vector<1048576xf32>
    %ge3A_44 = arith.cmpf oge, %get3A_0, %ge3A_43 : vector<1048576xf32>
    %get3A_45 = arith.constant 22 : index
    %get3A_46 = memref.load %arg1[%get3A_45] : memref<32xf32, #tpu.memory_space<smem>>
    %broadcast_in_dim3A_47 = vector.broadcast %get3A_46 : f32 to vector<1048576xf32>
    %select_n3A_48 = arith.select %ge3A_44, %broadcast_in_dim3A_47, %select_n3A_40 : vector<1048576xi1>, vector<1048576xf32>
    %get3A_49 = arith.constant 6 : index
    %get3A_50 = memref.load %arg1[%get3A_49] : memref<32xf32, #tpu.memory_space<smem>>
    %ge3A_51 = vector.broadcast %get3A_50 : f32 to vector<1048576xf32>
    %ge3A_52 = arith.cmpf oge, %get3A_0, %ge3A_51 : vector<1048576xf32>
    %get3A_53 = arith.constant 23 : index
    %get3A_54 = memref.load %arg1[%get3A_53] : memref<32xf32, #tpu.memory_space<smem>>
    %broadcast_in_dim3A_55 = vector.broadcast %get3A_54 : f32 to vector<1048576xf32>
    %select_n3A_56 = arith.select %ge3A_52, %broadcast_in_dim3A_55, %select_n3A_48 : vector<1048576xi1>, vector<1048576xf32>
    %swap3A = arith.constant 0 : index
    %swap3A_57 = vector.load %arg3[%swap3A] : memref<1048576xf32, #tpu.memory_space<vmem>>, vector<1048576xf32>
    tpu.vector_store %arg3[%swap3A], %select_n3A_56 {strides = array<i32>} : memref<1048576xf32, #tpu.memory_space<vmem>>, vector<1048576xf32>,
    return
  }
  func.func @transform_0(%arg0: i32) -> i32 {
    %c0_i32 = arith.constant 0 : i32
    %c0_i32_0 = arith.constant 0 : i32
    return %c0_i32 : i32
  }
  func.func @transform_1(%arg0: i32) -> i32 {
    %add3A = arith.constant 1 : i32
    %add3A_0 = arith.addi %arg0, %add3A : i32
    %c0_i32 = arith.constant 0 : i32
    return %add3A_0 : i32
  }
  func.func @transform_2(%arg0: i32) -> i32 {
    %add3A = arith.constant 1 : i32
    %add3A_0 = arith.addi %arg0, %add3A : i32
    %c0_i32 = arith.constant 0 : i32
    return %add3A_0 : i32
  }
}

</mosaic_0001>

<sc_bundles>
// kernel: kernel.5.cloned.1.call-start
scs
__scs_entry_jumppad:
0x0: {  	(pc) =	sbr.rel $0x88, $3  }
0x1: {  	(tag) =	ssettag $0x0;
	lr =	simm.s32 $0x1  }
0x2: {  	[smem:$0x3F9D] =	sst lr;
	_ =	strace $0xD0000000  }
0x3: {  	_ = 	snop  }
0x4: {  	_ = 	snop  }
0x5: {  	_ = 	snop  }
0x6: {  	_ = 	snop  }
0x7: {  	_ = 	snop  }
__scs_overlays_trampoline_lowered:
0x8: {  	[smem:$0x3FAC] =	sst s0  }
0x9: {  	[smem:$0x3FAD] =	sst s1  }
0xa: {  	[smem:$0x3FAE] =	sst s2  }
0xb: {  	[smem:$0x3FAF] =	sst s3  }
0xc: {  	[smem:$0x3FB0] =	sst s4  }
0xd: {  	[smem:$0x3FB1] =	sst s5  }
0xe: {  	[smem:$0x3FB2] =	sst s6  }
0xf: {  	[smem:$0x3FB3] =	sst s7  }
0x10: {  	[smem:$0x3FB4] =	sst s8  }
0x11: {  	[smem:$0x3FB5] =	sst s9;
	s0 =	simm.s32 @!p0 $0x0  }
0x12: {  	s1 =	sld [smem:$0x3F9B];
	s0 =	simm.s32 @p0 $0x1  }
0x13: {  	[smem:$0x3FB6] =	sst s0;
	s0 =	simm.s32 @!p1 $0x0  }
0x14: {  	s2 =	sld [smem:$0x3F9A];
	s0 =	simm.s32 @p1 $0x1  }
0x15: {  	[smem:$0x3FB7] =	sst s0;
	s0 =	simm.s32 @!p2 $0x0  }
0x16: {  	s3 =	sld [smem:$0x3FDB];
	s0 =	simm.s32 @p2 $0x1  }
0x17: {  	s4 =	simm.s32 $0x1BF5;
	[smem:$0x3FB9] =	sst s0  }
0x18: {  	s0 =	sld [smem:$0x3F9C];
	_ =	swait.ge [sflag:s4], $0x0  }
0x19: {  	s7 =	sld [smem:$0x3F9D]  }
0x1a: {  	s8 =	sadd.s32 $0xFFFFE003, lr  }
0x1b: {  	s9 =	sadd.s32 $0xFFFFFEF7, lr;
	s5 =	simm.s32 $0xFFFFFFFF;
	p2 =	slt.u32 s8, $0xFFFFF086  }
0x1c: {  	p1 =	slt.u32 s9, $0xF7A;
	s5 =	simm.s32 @!p2 $0x0  }
0x1d: {  	s5 =	simm.s32 @p1 $0x1;
	p0 =	seq.s32 s7, s2  }
0x1e: {  	s7 =	smul.u32 @!p0 $0xF7A, s2;
	p2 =	seq.s32 @!p0 s5, $0x0  }
0x1f: {  	s9 =	smul.u32 $0xF7A, s1;
	s8 =	simm.s32 @!p0 $0x1BF5;
	p2 =	por !p2, p0  }
0x20: {  	[sflag:s8] =	ssyncset.s32 @!p0 $0xFFFFF086;
	s6 =	sadd.s32 @!p0 s3, s7;
	s7 =	simm.s32 @!p0 $0x108  }
0x21: {  	s3 =	sadd.s32 s3, s9;
	s6 =	sadd.s32 @!p0 $0x88, s6;
	s7 =	simm.s32 @p2 $0x1082  }
0x22: {  	[simem:s7], [sflag:s8] =	dma.local @!p0 [hbm:s6], $0xF7A  }
0x23: {  	s9 =	sor.u32 $0xD0000000, s2;
	s6 =	simm.s32 $0x108;
	_ =	swait.ge @!p0 [sflag:s8], $0x0  }
0x24: {  	s3 =	sadd.s32 $0x88, s3;
	s6 =	simm.s32 @!p1 $0x1082;
	[sflag:s4] =	ssyncset.s32 $0xFFFFF086  }
0x25: {  	[simem:s6], [sflag:s4] =	dma.local [hbm:s3], $0xF7A  }
0x26: {  	[smem:$0x3F9D] =	sst s1;
	(tag) =	ssettag s2;
	_ =	strace s9  }
0x27: {  	s1 =	sld [smem:$0x3FAD]  }
0x28: {  	s2 =	sld [smem:$0x3FAE]  }
0x29: {  	s4 =	sld [smem:$0x3FB0]  }
0x2a: {  	p0 =	seq.s32 s5, $0x0;
	s5 =	sld [smem:$0x3FB1]  }
0x2b: {  	s6 =	sld [smem:$0x3FB2]  }
0x2c: {  	s7 =	sld [smem:$0x3FB3]  }
0x2d: {  	s3 =	simm.s32 $0x108;
	s8 =	sld [smem:$0x3FB4]  }
0x2e: {  	s3 =	simm.s32 @!p0 $0x1082;
	s9 =	sld [smem:$0x3FB5]  }
0x2f: {  	lr =	sadd.s32 s0, s3;
	s0 =	sld [smem:$0x3FAC]  }
0x30: {  	s3 =	sld [smem:$0x3FAF]  }
0x31: {  	[smem:$0x3FB8] =	sst s10  }
0x32: {  	s10 =	sld [smem:$0x3FB6];
	_ =	sdelay $0x3  }
0x33: {  	p0 =	seq.s32 s10, $0x1;
	s10 =	sld [smem:$0x3FB8];
	_ =	sdelay $0x3  }
0x34: {  	[smem:$0x3FB8] =	sst s10  }
0x35: {  	s10 =	sld [smem:$0x3FB7];
	_ =	sdelay $0x3  }
0x36: {  	p1 =	seq.s32 s10, $0x1;
	s10 =	sld [smem:$0x3FB8];
	_ =	sdelay $0x3  }
0x37: {  	[smem:$0x3FB8] =	sst s10  }
0x38: {  	s10 =	sld [smem:$0x3FB9]  }
0x39: {  	_ = 	snop;
	(pc) =	sbr.ind lr, $3  }
0x3a: {  	_ = 	snop  }
0x3b: {  	_ = 	snop  }
0x3c: {  	p2 =	seq.s32 s10, $0x1;
	s10 =	sld [smem:$0x3FB8]  }
0x3d: {  	_ =	shalt  }
0x3e: {  	_ =	shalt  }
0x3f: {  	_ =	shalt  }
0x40: {  	_ =	shalt  }
0x41: {  	_ =	shalt  }
0x42: {  	_ =	shalt  }
0x43: {  	_ =	shalt  }
0x44: {  	_ =	shalt  }
0x45: {  	_ =	shalt  }
0x46: {  	_ =	shalt  }
0x47: {  	_ =	shalt  }
0x48: {  	_ =	shalt  }
0x49: {  	_ =	shalt  }
0x4a: {  	_ =	shalt  }
0x4b: {  	_ =	shalt  }
0x4c: {  	_ =	shalt  }
0x4d: {  	_ =	shalt  }
0x4e: {  	_ =	shalt  }
0x4f: {  	_ =	shalt  }
0x50: {  	_ =	shalt  }
0x51: {  	_ =	shalt  }
0x52: {  	_ =	shalt  }
0x53: {  	_ =	shalt  }
0x54: {  	_ =	shalt  }
0x55: {  	_ =	shalt  }
0x56: {  	_ =	shalt  }
0x57: {  	_ =	shalt  }
0x58: {  	_ =	shalt  }
0x59: {  	_ =	shalt  }
0x5a: {  	_ =	shalt  }
0x5b: {  	_ =	shalt  }
0x5c: {  	_ =	shalt  }
0x5d: {  	_ =	shalt  }
0x5e: {  	_ =	shalt  }
0x5f: {  	_ =	shalt  }
0x60: {  	_ =	shalt  }
0x61: {  	_ =	shalt  }
0x62: {  	_ =	shalt  }
0x63: {  	_ =	shalt  }
0x64: {  	_ =	shalt  }
0x65: {  	_ =	shalt  }
0x66: {  	_ =	shalt  }
0x67: {  	_ =	shalt  }
0x68: {  	_ =	shalt  }
0x69: {  	_ =	shalt  }
0x6a: {  	_ =	shalt  }
0x6b: {  	_ =	shalt  }
0x6c: {  	_ =	shalt  }
0x6d: {  	_ =	shalt  }
0x6e: {  	_ =	shalt  }
0x6f: {  	_ =	shalt  }
0x70: {  	_ =	shalt  }
0x71: {  	_ =	shalt  }
0x72: {  	_ =	shalt  }
0x73: {  	_ =	shalt  }
0x74: {  	_ =	shalt  }
0x75: {  	_ =	shalt  }
0x76: {  	_ =	shalt  }
0x77: {  	_ =	shalt  }
0x78: {  	_ =	shalt  }
0x79: {  	_ =	shalt  }
0x7a: {  	_ =	shalt  }
0x7b: {  	_ =	shalt  }
0x7c: {  	_ =	shalt  }
0x7d: {  	_ =	shalt  }
0x7e: {  	_ =	shalt  }
0x7f: {  	_ =	shalt  }
0x80: {  	_ =	shalt  }
0x81: {  	_ =	shalt  }
0x82: {  	_ =	shalt  }
0x83: {  	_ =	shalt  }
0x84: {  	_ =	shalt  }
0x85: {  	_ =	shalt  }
0x86: {  	_ =	shalt  }
0x87: {  	_ =	shalt  }
.Lfunc_end0:
.L_simem_size_0:
called_computation_lowered:
.L_overlay_start_0:
0x88: {  	s2 =	sld [smem:$0x3FD9]  }
0x89: {  	s3 =	sld [smem:$0x3FFE];
	_ =	sdelay $0x1  }
0x8a: {  	s1 =	srdreg.scid  }
0x8b: {  	s0 =	sand.u32 $0x1, s1  }
0x8c: {  	s17 =	sshll.u32 s0, $0xA;
	s2 =	sadd.s32 s3, s2  }
0x8d: {  	s2 =	sadd.s32 s2, s17  }
0x8e: {  	[smem:$0x3FC4] =	sst s2  }
0x8f: {  	_ = 	snop  }
0x90: {  	s2 =	sld [smem:$0x3FC9];
	(tm) =	ssettm $0x1  }
0x91: {  	s18 =	sld [smem:$0x3FFB];
	_ =	sdelay $0x3  }
0x92: {  	_ =	strace s18  }
0x93: {  	s3 =	sld [smem:$0x3FFC];
	_ =	sdelay $0x3  }
0x94: {  	_ =	strace s3  }
0x95: {  	s3 =	sld [smem:$0x3FFD];
	_ =	sdelay $0x3  }
0x96: {  	_ =	strace s3  }
0x97: {  	_ =	strace $0x8FFFFFFF  }
0x98: {  	s19 =	sld [smem:$0x3FDB];
	_ =	sdelay $0x1  }
0x99: {  	s4 =	simm.s32 $_scs_section_size  }
0x9a: {  	s5 =	simm.s32 $_size__tile_overlayer_lowered;
	s6 =	simm.s32 $_tile_overlayer_lowered  }
0x9b: {  	s22 =	simm.s32 $0x1BFF;
	s21 =	sshll.u32 s6, $0x1;
	s3 =	sadd.s32 s4, s19  }
0x9c: {  	s7 =	simm.s32 $0x0;
	s20 =	sshll.u32 s5, $0x1;
	s5 =	sadd.s32 s21, s3  }
0x9d: {  	[timem:s7], [sflag:s22] =	dma.local [hbm:s5], s20  }
0x9e: {  	_ =	swait.ge [sflag:s22], s20  }
0x9f: {  	s4 =	ssub.s32 $0x0, s20;
	[sflag:s22] =	ssyncset.done $0x0  }
0xa0: {  	[sflag:s22] =	ssyncadd.s32 s4;
	_ =	sdelay $0x1  }
0xa1: {  	s23 =	simm.s32 $0x1B8B  }
0xa2: {  	_ =	swait.ge [sflag:s23], $0x1  }
0xa3: {  	[sflag:s23] =	ssyncset.done $0x0  }
0xa4: {  	s25 =	simm.s32 $0x1B8E;
	s24 =	sld [smem:$0x3FFE];
	[sflag:s23] =	ssyncadd.s32 $0xFFFFFFFF  }
0xa5: {  	s26 =	simm.s32 $execute0_lowered;
	[smem:$0x3FD2] =	sst s25  }
0xa6: {  	s5 =	sshll.u32 s26, $0x1;
	_ =	strace $0x80000046;
	[dreg:$0x1] =	wrdreg $0xFFFFFFFF  }
0xa7: {  	s28 =	simm.s32 $_size_execute0_lowered;
	s3 =	sadd.s32 s3, s5;
	[dreg:$0x0] =	wrdreg $0x0  }
0xa8: {  	s5 =	sshll.u32 s28, $0x1;
	[dreg:$0x2] =	wrdreg s3  }
0xa9: {  	[dreg:$0x3] =	wrdreg s5  }
0xaa: {  	[dreg:$0x4] =	wrdreg $0xC0  }
0xab: {  	_ =	task [dreg:s7], $0x5FFFF  }
0xac: {  	[dreg:$0x1] =	wrdreg $0xFFFFFFFF  }
0xad: {  	[dreg:$0x0] =	wrdreg $0x60  }
0xae: {  	[dreg:$0x2] =	wrdreg s2  }
0xaf: {  	[dreg:$0x3] =	wrdreg s24  }
0xb0: {  	[dreg:$0x4] =	wrdreg $0x9  }
0xb1: {  	_ =	task.clear_ibuf [dreg:s7], $0x5FFFF;
	_ =	strace $0x90000046  }
0xb2: {  	s29 =	simm.s32 $0x9;
	_ =	strace $0x80000048  }
0xb3: {  	_ =	swait.ge [sflag:s29], $0x1  }
0xb4: {  	[sflag:s29] =	ssyncadd.s32 $0xFFFFFFFF  }
0xb5: {  	_ =	strace $0x90000048  }
0xb6: {  	_ =	sfence  }
0xb7: {  	s30 =	sld [smem:$0x0];
	_ =	sdelay $0x2  }
0xb8: {  	s31 =	sshll.u32 s1, $0xD;
	s1 =	sshrl.u32 s1, $0x2  }
0xb9: {  	s3 =	sand.u32 $0x4000, s31;
	s1 =	sadd.s32 s1, s30  }
0xba: {  	s0 =	sor.u32 s3, s0;
	s1 =	sshll.u32 s1, $0x11  }
0xbb: {  	s0 =	sor.u32 s1, s0  }
0xbc: {  	s0 =	sadd.s32 $0x8F2B, s0  }
0xbd: {  	[sflag:s0] =	ssyncadd.remote.s32 $0x1  }
0xbe: {  	_ =	sfence.sel $0xFFFF  }
0xbf: {  	[dreg:$0x0] =	wrdreg $0xFFFFFFFF;
	(pc) =	sbr.abs _section_cstart, $3  }
0xc0: {  	[dreg:$0x1] =	wrdreg $0xFFFFFFFF  }
0xc1: {  	_ =	task.clear_ibuf [dreg:s7], $0x2FFFF;
	_ =	strace $0x9FFFFFFF  }
0xc2: {  	(tm) =	ssettm $0x7FFFFFFF  }
0xc3: {  	_ =	shalt  }
tec
execute0_lowered:
.L_overlay_start_1:
0x0: {  	(tag) =	ssettag $0x1  }
0x1: {  	s5 =	rddreg [dreg:$0x0]  }
0x2: {  	s4 =	rddreg [dreg:$0x1]  }
0x3: {  	s0 =	rddreg [dreg:$0x2]  }
0x4: {  	s2 =	simm.s32 $0x0;
	s3 =	srdreg.scid;
	s1 =	stileid.u32  }
0x5: {  	s11 =	simm.s32 $0x4080;
	s12 =	simm.s32 $0x1;
	s13 =	simm.s32 $0x8080  }
0x6: {  	s14 =	simm.s32 $0x2;
	s15 =	simm.s32 $0xC080;
	s16 =	simm.s32 $0x3  }
0x7: {  	s17 =	simm.s32 $0x4;
	s18 =	simm.s32 $0x0;
	[smem:$0x7FF] =	sst s2  }
0x8: {  	s3 =	sand.u32 $0x1, s3;
	s7 =	sshll.u32 s1, $0xD;
	s31 =	sadd.s32 $0x1200, s4  }
0x9: {  	_ =	strace $0x80000047;
	s6 =	ssub.s32 $0x2, s3;
	s8 =	sshll.u32 s3, $0xC  }
0xa: {  	s3 =	sadd.s32 $0x1000, s4;
	s9 =	sshrl.u32 s6, $0x1;
	s7 =	sor.u32 s8, s7  }
0xb: {  	s9 =	ssub.s32 s6, s9;
	s10 =	sor.u32 $0x800, s7;
	s4 =	sadd.s32 s5, s7  }
0xc: {  	s6 =	sadd.s32 s31, s7;
	s5 =	sadd.s32 s5, s10;
	s7 =	sadd.s32 s31, s10  }
0xd: {  	v0 =	vimm.s32 $0x0;
	s8 =	smax.u32 s9, $0x1;
	s9 =	simm.s32 $0x5;
	s10 =	simm.s32 $0x80  }
.LBB2_1:
0xe: {  	[tilespmem:s2], [sflag:$0x5] =	stream.linear.gather [hbm4b:s3+s2], $0x80, $0x38;
	[tilespmem:$0x10080] =	vst v63  }
0xf: {  	_ =	swait.ge [sflag:s9], $0x80  }
0x10: {  	[sflag:s9] =	ssyncset.done $0x0  }
0x11: {  	[sflag:s9] =	ssyncadd.s32 $0xFFFFFF80  }
0x12: {  	v2 =	vld [tilespmem:$0x0]  }
0x13: {  	v1 =	vld [tilespmem:$0x10];
	[tilespmem:s10], [sflag:$0x1] =	stream.linear.gather [hbm4b:s4+s2], $0x4000, $0x38  }
0x14: {  	_ = 	snop  }
0x15: {  	[tilespmem:s11], [sflag:$0x2] =	stream.linear.gather [hbm4b:s5+s2], $0x4000, $0x38;
	[tilespmem:$0x10080] =	vst v63  }
0x16: {  	_ =	swait.ge [sflag:s12], $0x4000  }
0x17: {  	[sflag:s12] =	ssyncset.done $0x0  }
0x18: {  	s19 =	simm.s32 $0x100;
	[sflag:s12] =	ssyncadd.s32 $0xFFFFC000  }
0x19: {  	v8 =	vld [tilespmem:s19+$0xFFFFFFB0]  }
0x1a: {  	v9 =	vld [tilespmem:s19+$0x70]  }
0x1b: {  	v11 =	vld [tilespmem:s19+$0x40]  }
0x1c: {  	v12 =	vld [tilespmem:s19+$0x0]  }
0x1d: {  	v53 =	vld [tilespmem:s19+$0x30]  }
0x1e: {  	v18 =	vld [tilespmem:s19+$0xFFFFFF80]  }
0x1f: {  	v3 =	vbroadcast v2, $0x3;
	v21 =	vld [tilespmem:s19+$0xFFFFFFC0]  }
0x20: {  	v10 =	vld [tilespmem:s19+$0x10]  }
0x21: {  	v19 =	vld [tilespmem:s19+$0xFFFFFFD0];
	vm0 =	vge.f32 v8, v3;
	vm1 =	vge.f32 v9, v3  }
0x22: {  	vm2 =	vge.f32 v11, v3;
	vm3 =	vge.f32 v53, v3;
	v14 =	vsel vm0, $0x4, v0  }
0x23: {  	v4 =	vld [tilespmem:s19+$0xFFFFFFE0];
	v13 =	vsel vm1, $0x4, v0;
	vm0 =	vge.f32 v12, v3;
	vm1 =	vge.f32 v18, v3  }
0x24: {  	v7 =	vsel vm2, $0x4, v0;
	vm2 =	vge.f32 v21, v3;
	v59 =	vsel vm3, $0x4, v0  }
0x25: {  	v6 =	vld [tilespmem:s19+$0x20];
	v5 =	vor.u32 $0x1, v13;
	v17 =	vsel vm0, $0x4, v0;
	vm0 =	vge.f32 v10, v3  }
0x26: {  	v22 =	vld [tilespmem:s19+$0xFFFFFFA0];
	v23 =	vsel vm1, $0x4, v0;
	vm1 =	vge.f32 v19, v3;
	v25 =	vor.u32 $0x1, v7  }
0x27: {  	v26 =	vor.u32 $0x1, v14;
	v29 =	vsel vm2, $0x4, v0;
	v61 =	vor.u32 $0x1, v59  }
0x28: {  	v20 =	vperm.xlane v2, v5;
	v16 =	vsel vm0, $0x4, v0;
	vm0 =	vge.f32 v4, v3  }
0x29: {  	v24 =	vld [tilespmem:s19+$0xFFFFFFF0];
	v25 =	vperm.xlane v2, v25;
	v27 =	vsel vm1, $0x4, v0;
	v52 =	vor.u32 $0x1, v29  }
0x2a: {  	vm1 =	vge.f32 v6, v3;
	v26 =	vperm.xlane v2, v26;
	v15 =	vsel vm0, $0x4, v0  }
0x2b: {  	v5 =	vld [tilespmem:s19+$0xFFFFFF90];
	vm0 =	vge.f32 v22, v3;
	v32 =	vsel vm1, $0x4, v0;
	v36 =	vor.u32 $0x1, v16  }
0x2c: {  	v51 =	vor.u32 $0x1, v27;
	v28 =	vsel vm0, $0x4, v0;
	vm0 =	vge.f32 v11, v25  }
0x2d: {  	v25 =	vperm.xlane v2, v52;
	vm1 =	vge.f32 v9, v20;
	v30 =	vsel vm0, $0x2, v0  }
0x2e: {  	v46 =	vor.u32 $0x1, v32;
	vm0 =	vge.f32 v24, v3;
	v30 =	vor.u32 v7, v30  }
0x2f: {  	v52 =	vor.u32 $0x1, v23;
	v31 =	vsel vm0, $0x4, v0;
	v33 =	vperm.xlane v2, v30  }
0x30: {  	v35 =	vor.u32 $0x1, v28;
	v7 =	vld [tilespmem:s19+$0x60];
	vm2 =	vge.f32 v5, v3;
	v34 =	vor.u32 $0x1, v31  }
0x31: {  	v34 =	vperm.xlane v2, v34;
	v20 =	vsel vm2, $0x4, v0;
	vm0 =	vge.f32 v11, v33;
	v11 =	vld [tilespmem:s19+$0x50]  }
0x32: {  	v54 =	vperm.xlane v2, v35;
	v45 =	vor.u32 $0x1, v20;
	v37 =	vsel vm0, $0x1, v0  }
0x33: {  	vm0 =	vge.f32 v24, v34;
	v35 =	vperm.xlane v2, v45;
	v30 =	vor.u32 v37, v30  }
0x34: {  	v55 =	vsel vm0, $0x2, v0;
	vm0 =	vge.f32 v8, v26;
	v26 =	vperm.xlane v1, v30  }
0x35: {  	v30 =	vperm.xlane v2, v36;
	v56 =	vsel vm0, $0x2, v0;
	vm0 =	vge.f32 v7, v3  }
0x36: {  	v31 =	vor.u32 v31, v55;
	v14 =	vor.u32 v14, v56;
	vm2 =	vge.f32 v11, v3  }
0x37: {  	v38 =	vsel vm0, $0x4, v0;
	v36 =	vperm.xlane v2, v14;
	v57 =	vsel vm2, $0x4, v0  }
0x38: {  	vm0 =	vge.f32 v22, v54;
	v54 =	vor.u32 $0x1, v15;
	v58 =	vor.u32 $0x1, v57  }
0x39: {  	vm2 =	vge.f32 v8, v36;
	v8 =	vor.u32 $0x1, v38;
	v34 =	vperm.xlane v2, v58  }
0x3a: {  	v39 =	vsel vm0, $0x2, v0;
	v40 =	vperm.xlane v2, v8;
	v60 =	vsel vm2, $0x1, v0  }
0x3b: {  	v8 =	vor.u32 v28, v39;
	v14 =	vor.u32 v60, v14;
	vm0 =	vge.f32 v11, v34  }
0x3c: {  	v39 =	vperm.xlane v2, v8;
	v34 =	vperm.xlane v2, v61;
	v62 =	vsel vm0, $0x2, v0  }
0x3d: {  	v44 =	vperm.xlane v1, v14;
	v14 =	vperm.xlane v2, v31;
	v28 =	vor.u32 v57, v62  }
0x3e: {  	vm0 =	vge.f32 v7, v40;
	vm2 =	vge.f32 v53, v34;
	v63 =	vperm.xlane v2, v28  }
0x3f: {  	v40 =	vsel vm0, $0x2, v0;
	v47 =	vsel vm2, $0x2, v0;
	vm2 =	vge.f32 v24, v14  }
0x40: {  	v48 =	vor.u32 v59, v47;
	v49 =	vsel vm2, $0x1, v0;
	vm0 =	vge.f32 v11, v63  }
0x41: {  	v11 =	vor.u32 v38, v40;
	v36 =	vperm.xlane v2, v48;
	v14 =	vsel vm0, $0x1, v0  }
0x42: {  	vm0 =	vge.f32 v21, v25;
	v25 =	vor.u32 v49, v31;
	v31 =	vperm.xlane v2, v51  }
0x43: {  	v28 =	vor.u32 v14, v28;
	v14 =	vperm.xlane v2, v11;
	v50 =	vsel vm0, $0x2, v0  }
0x44: {  	vm0 =	vge.f32 v53, v36;
	v25 =	vperm.xlane v1, v25;
	v53 =	vperm.xlane v2, v52  }
0x45: {  	v28 =	vperm.xlane v1, v28;
	v33 =	vsel vm0, $0x1, v0;
	vm0 =	vge.f32 v22, v39  }
0x46: {  	vm2 =	vge.f32 v19, v31;
	v22 =	vperm.xlane v2, v46;
	v29 =	vor.u32 v29, v50  }
0x47: {  	v24 =	vor.u32 v33, v48;
	vm3 =	vge.f32 v18, v53;
	v55 =	vsel vm2, $0x2, v0  }
0x48: {  	v56 =	vsel vm3, $0x2, v0;
	v27 =	vor.u32 v27, v55;
	vm2 =	vge.f32 v6, v22  }
0x49: {  	v22 =	vor.u32 v23, v56;
	v23 =	vperm.xlane v2, v29;
	v33 =	vperm.xlane v2, v27  }
0x4a: {  	v57 =	vor.u32 $0x1, v17;
	v24 =	vperm.xlane v1, v24;
	v34 =	vperm.xlane v2, v22  }
0x4b: {  	v58 =	vsel vm2, $0x2, v0;
	vm2 =	vge.f32 v21, v23;
	vm3 =	vge.f32 v19, v33  }
0x4c: {  	v21 =	vperm.xlane v2, v57;
	vm4 =	vge.f32 v18, v34;
	v18 =	vsel vm3, $0x1, v0  }
0x4d: {  	v23 =	vsel vm2, $0x1, v0;
	vm3 =	vge.f32 v10, v30;
	v19 =	vsel vm4, $0x1, v0  }
0x4e: {  	v18 =	vor.u32 v18, v27;
	vm2 =	vge.f32 v12, v21;
	v21 =	vperm.xlane v2, v54  }
0x4f: {  	v30 =	vsel vm3, $0x2, v0;
	v22 =	vor.u32 v19, v22;
	v19 =	vor.u32 v23, v29  }
0x50: {  	v18 =	vperm.xlane v1, v18;
	v60 =	vsel vm2, $0x2, v0;
	vm2 =	vge.f32 v5, v35  }
0x51: {  	s19 =	simm.s32 $0x8100;
	v16 =	vor.u32 v16, v30;
	v59 =	vperm.xlane v1, v22;
	v17 =	vor.u32 v17, v60  }
0x52: {  	[tilespmem:s19+$0x40] =	vst v26;
	v22 =	vor.u32 v32, v58;
	v61 =	vsel vm2, $0x2, v0;
	v29 =	vperm.xlane v2, v17  }
0x53: {  	[tilespmem:s19+$0xFFFFFFB0] =	vst v44;
	vm2 =	vge.f32 v4, v21;
	v21 =	vsel vm1, $0x2, v0;
	v23 =	vperm.xlane v2, v22  }
0x54: {  	[tilespmem:s19+$0xFFFFFFF0] =	vst v25;
	v21 =	vor.u32 v13, v21;
	vm1 =	vge.f32 v12, v29;
	v12 =	vperm.xlane v2, v16  }
0x55: {  	[tilespmem:s19+$0x50] =	vst v28;
	v13 =	vsel vm2, $0x2, v0;
	v63 =	vperm.xlane v2, v21;
	v62 =	vsel vm1, $0x1, v0  }
0x56: {  	[tilespmem:s19+$0x30] =	vst v24;
	v13 =	vor.u32 v15, v13;
	v15 =	vor.u32 v62, v17;
	vm1 =	vge.f32 v10, v12  }
0x57: {  	[tilespmem:s19+$0xFFFFFFD0] =	vst v18;
	v12 =	vperm.xlane v1, v15;
	v15 =	vsel vm1, $0x1, v0;
	vm1 =	vge.f32 v9, v63  }
0x58: {  	[tilespmem:s19+$0xFFFFFF80] =	vst v59;
	v10 =	vperm.xlane v2, v13;
	v9 =	vor.u32 v15, v16;
	v15 =	vsel vm1, $0x1, v0  }
0x59: {  	s21 =	simm.s32 $0x0;
	s22 =	simm.s32 $0x200;
	s20 =	simm.s32 $0x8100;
	v16 =	vor.u32 v20, v61;
	[tilespmem:s19+$0x0] =	vst v12;
	v12 =	vperm.xlane v1, v9;
	v9 =	vor.u32 v15, v21  }
.LBB2_2:
0x5a: {  	v25 =	vld [tilespmem:s22+$0xFFFFFFB0];
	s21 =	sadd.s32 $0x100, s21;
	v15 =	vsel vm0, $0x1, v0;
	vm0 =	vge.f32 v6, v23;
	v6 =	vperm.xlane v1, v9;
	s19 =	sadd.s32 $0x100, s19  }
0x5b: {  	v9 =	vld [tilespmem:s22+$0x70];
	p0 =	slt.u32 s21, $0x3F00;
	v8 =	vor.u32 v15, v8;
	[tilespmem:s20+$0x10] =	vst v12;
	v12 =	vsel vm0, $0x1, v0;
	vm0 =	vge.f32 v7, v14  }
0x5c: {  	v7 =	vperm.xlane v2, v16;
	v14 =	vld [tilespmem:s22+$0x40];
	v15 =	vor.u32 v12, v22;
	v17 =	vsel vm0, $0x1, v0;
	[tilespmem:s20+$0x70] =	vst v6  }
0x5d: {  	vm0 =	vge.f32 v4, v10;
	v12 =	vld [tilespmem:s22+$0x0];
	v4 =	vperm.xlane v1, v15;
	v6 =	vor.u32 v17, v11  }
0x5e: {  	v8 =	vperm.xlane v1, v8;
	v11 =	vsel vm0, $0x1, v0;
	v10 =	vld [tilespmem:s22+$0x10];
	v6 =	vperm.xlane v1, v6  }
0x5f: {  	vm0 =	vge.f32 v5, v7;
	v5 =	vperm.xlane v1, v19;
	v7 =	vor.u32 v11, v13;
	v15 =	vld [tilespmem:s22+$0xFFFFFF80];
	[tilespmem:s20+$0x20] =	vst v4  }
0x60: {  	v11 =	vsel vm0, $0x1, v0;
	vm1 =	vge.f32 v25, v3;
	v4 =	vld [tilespmem:s22+$0xFFFFFFE0];
	vm2 =	vge.f32 v9, v3;
	[tilespmem:s20+$0x60] =	vst v6  }
0x61: {  	v28 =	vsel vm1, $0x4, v0;
	v6 =	vor.u32 v11, v16;
	v19 =	vld [tilespmem:s22+$0xFFFFFFD0];
	v13 =	vsel vm2, $0x4, v0;
	[tilespmem:s20+$0xFFFFFFA0] =	vst v8  }
0x62: {  	v6 =	vperm.xlane v1, v6;
	v20 =	vld [tilespmem:s22+$0xFFFFFFC0];
	vm0 =	vge.f32 v12, v3;
	v8 =	vor.u32 $0x1, v13;
	[tilespmem:s20+$0xFFFFFFC0] =	vst v5  }
0x63: {  	v23 =	vld [tilespmem:s22+$0xFFFFFFA0];
	v17 =	vsel vm0, $0x4, v0;
	vm0 =	vge.f32 v10, v3;
	v8 =	vperm.xlane v2, v8  }
0x64: {  	vm1 =	vge.f32 v15, v3;
	v5 =	vld [tilespmem:s22+$0xFFFFFF90];
	v16 =	vsel vm0, $0x4, v0;
	vm0 =	vge.f32 v14, v3;
	[tilespmem:s20+$0xFFFFFF90] =	vst v6  }
0x65: {  	v7 =	vperm.xlane v1, v7;
	vm2 =	vge.f32 v4, v3;
	v6 =	vld [tilespmem:s22+$0x20];
	v11 =	vsel vm0, $0x4, v0  }
0x66: {  	v22 =	vsel vm1, $0x4, v0;
	vm0 =	vge.f32 v19, v3;
	v29 =	vld [tilespmem:s22+$0xFFFFFFF0];
	v21 =	vor.u32 $0x1, v11  }
0x67: {  	v27 =	vor.u32 $0x1, v28;
	v18 =	vsel vm2, $0x4, v0;
	v21 =	vperm.xlane v2, v21;
	[tilespmem:s20+$0xFFFFFFE0] =	vst v7;
	s20 =	smov.u32 s19  }
0x68: {  	vm2 =	vge.f32 v20, v3;
	v26 =	vsel vm0, $0x4, v0;
	vm1 =	vge.f32 v23, v3  }
0x69: {  	v31 =	vsel vm2, $0x4, v0;
	v30 =	vsel vm1, $0x4, v0;
	vm0 =	vge.f32 v14, v21  }
0x6a: {  	vm2 =	vge.f32 v5, v3;
	v7 =	vor.u32 $0x1, v31;
	v21 =	vsel vm0, $0x2, v0  }
0x6b: {  	vm1 =	vge.f32 v6, v3;
	vm0 =	vge.f32 v29, v3;
	v11 =	vor.u32 v11, v21  }
0x6c: {  	v24 =	vsel vm1, $0x4, v0;
	v32 =	vsel vm0, $0x4, v0;
	v21 =	vperm.xlane v2, v11  }
0x6d: {  	v27 =	vperm.xlane v2, v27;
	v33 =	vperm.xlane v2, v7;
	v34 =	vor.u32 $0x1, v32;
	v7 =	vld [tilespmem:s22+$0x60]  }
0x6e: {  	vm1 =	vge.f32 v9, v8;
	v34 =	vperm.xlane v2, v34;
	v35 =	vld [tilespmem:s22+$0x30];
	vm0 =	vge.f32 v14, v21  }
0x6f: {  	v8 =	vor.u32 $0x1, v30;
	v14 =	vor.u32 $0x1, v16;
	v36 =	vsel vm0, $0x1, v0;
	v37 =	vld [tilespmem:s22+$0x50]  }
0x70: {  	v21 =	vsel vm2, $0x4, v0;
	vm0 =	vge.f32 v29, v34;
	v11 =	vor.u32 v36, v11  }
0x71: {  	v8 =	vperm.xlane v2, v8;
	v34 =	vsel vm0, $0x2, v0;
	v11 =	vperm.xlane v1, v11  }
0x72: {  	vm0 =	vge.f32 v25, v27;
	v27 =	vperm.xlane v2, v14;
	vm2 =	vge.f32 v7, v3  }
0x73: {  	v14 =	vsel vm0, $0x2, v0;
	vm0 =	vge.f32 v35, v3;
	[tilespmem:s19+$0x40] =	vst v11;
	v11 =	vsel vm2, $0x4, v0  }
0x74: {  	v14 =	vor.u32 v28, v14;
	v28 =	vsel vm0, $0x4, v0;
	vm0 =	vge.f32 v37, v3  }
0x75: {  	vm2 =	vge.f32 v23, v8;
	v8 =	vperm.xlane v2, v14;
	v36 =	vsel vm0, $0x4, v0  }
0x76: {  	v38 =	vsel vm2, $0x2, v0;
	v40 =	vor.u32 $0x1, v11;
	v39 =	vor.u32 $0x1, v36  }
0x77: {  	vm0 =	vge.f32 v25, v8;
	v25 =	vperm.xlane v2, v39;
	v39 =	vperm.xlane v2, v40  }
0x78: {  	v8 =	vor.u32 v30, v38;
	v38 =	vor.u32 $0x1, v28;
	v30 =	vsel vm0, $0x1, v0  }
0x79: {  	v40 =	vperm.xlane v2, v8;
	v14 =	vor.u32 v30, v14;
	vm0 =	vge.f32 v37, v25  }
0x7a: {  	v14 =	vperm.xlane v1, v14;
	v25 =	vperm.xlane v2, v38;
	v30 =	vsel vm0, $0x2, v0  }
0x7b: {  	v32 =	vor.u32 v32, v34;
	vm0 =	vge.f32 v7, v39;
	v30 =	vor.u32 v36, v30  }
0x7c: {  	v36 =	vsel vm0, $0x2, v0;
	[tilespmem:s19+$0xFFFFFFB0] =	vst v14;
	v14 =	vperm.xlane v2, v32;
	v34 =	vperm.xlane v2, v30  }
0x7d: {  	v38 =	vor.u32 $0x1, v21;
	v39 =	vor.u32 $0x1, v24;
	vm0 =	vge.f32 v35, v25  }
0x7e: {  	v25 =	vsel vm0, $0x2, v0;
	v11 =	vor.u32 v11, v36;
	vm0 =	vge.f32 v37, v34  }
0x7f: {  	v25 =	vor.u32 v28, v25;
	vm2 =	vge.f32 v29, v14;
	v14 =	vsel vm0, $0x1, v0  }
0x80: {  	v28 =	vperm.xlane v2, v25;
	v29 =	vor.u32 v14, v30;
	v14 =	vperm.xlane v2, v11  }
0x81: {  	vm0 =	vge.f32 v20, v33;
	v30 =	vsel vm2, $0x1, v0;
	v29 =	vperm.xlane v1, v29  }
0x82: {  	v33 =	vsel vm0, $0x2, v0;
	vm0 =	vge.f32 v35, v28;
	v30 =	vor.u32 v30, v32  }
0x83: {  	v28 =	vor.u32 $0x1, v26;
	v32 =	vsel vm0, $0x1, v0;
	v30 =	vperm.xlane v1, v30;
	[tilespmem:s19+$0x50] =	vst v29  }
0x84: {  	v28 =	vperm.xlane v2, v28;
	v25 =	vor.u32 v32, v25;
	v29 =	vor.u32 $0x1, v22  }
0x85: {  	vm0 =	vge.f32 v23, v40;
	v23 =	vperm.xlane v1, v25;
	v29 =	vperm.xlane v2, v29;
	[tilespmem:s19+$0xFFFFFFF0] =	vst v30  }
0x86: {  	vm2 =	vge.f32 v19, v28;
	v25 =	vor.u32 $0x1, v18;
	v28 =	vperm.xlane v2, v39  }
0x87: {  	v30 =	vsel vm2, $0x2, v0;
	vm3 =	vge.f32 v15, v29;
	v29 =	vor.u32 v31, v33;
	[tilespmem:s19+$0x30] =	vst v23  }
0x88: {  	vm2 =	vge.f32 v6, v28;
	v26 =	vor.u32 v26, v30;
	v23 =	vsel vm3, $0x2, v0  }
0x89: {  	v28 =	vperm.xlane v2, v26;
	v22 =	vor.u32 v22, v23;
	v23 =	vperm.xlane v2, v29  }
0x8a: {  	v31 =	vor.u32 $0x1, v17;
	v32 =	vsel vm2, $0x2, v0;
	v30 =	vperm.xlane v2, v22  }
0x8b: {  	v33 =	vperm.xlane v2, v38;
	vm3 =	vge.f32 v19, v28;
	vm2 =	vge.f32 v20, v23  }
0x8c: {  	v20 =	vperm.xlane v2, v31;
	vm4 =	vge.f32 v15, v30;
	v15 =	vsel vm3, $0x1, v0  }
0x8d: {  	v23 =	vsel vm2, $0x1, v0;
	v19 =	vsel vm4, $0x1, v0;
	v15 =	vor.u32 v15, v26  }
0x8e: {  	v22 =	vor.u32 v19, v22;
	v19 =	vor.u32 v23, v29;
	v15 =	vperm.xlane v1, v15  }
0x8f: {  	vm2 =	vge.f32 v12, v20;
	v26 =	vperm.xlane v1, v22;
	v22 =	vor.u32 v24, v32  }
0x90: {  	v20 =	vsel vm2, $0x2, v0;
	v23 =	vperm.xlane v2, v22;
	[tilespmem:s19+$0xFFFFFFD0] =	vst v15;
	v15 =	vperm.xlane v2, v25  }
0x91: {  	vm3 =	vge.f32 v10, v27;
	vm2 =	vge.f32 v5, v33;
	v17 =	vor.u32 v17, v20;
	[tilespmem:s19+$0xFFFFFF80] =	vst v26  }
0x92: {  	v20 =	vsel vm2, $0x2, v0;
	v24 =	vperm.xlane v2, v17;
	v25 =	vsel vm3, $0x2, v0  }
0x93: {  	vm2 =	vge.f32 v4, v15;
	v15 =	vor.u32 v16, v25;
	v16 =	vsel vm1, $0x2, v0  }
0x94: {  	vm1 =	vge.f32 v12, v24;
	v12 =	vperm.xlane v2, v15;
	v24 =	vor.u32 v13, v16  }
.Ltmp0:
0x95: {  	v13 =	vsel vm2, $0x2, v0;
	v16 =	vsel vm1, $0x1, v0;
	v25 =	vperm.xlane v2, v24;
	(pc) =	sbr.rel @p0 .LBB2_2-.Ltmp0, $4  }
0x96: {  	v13 =	vor.u32 v18, v13;
	v16 =	vor.u32 v16, v17;
	vm1 =	vge.f32 v10, v12  }
0x97: {  	v12 =	vperm.xlane v1, v16;
	v16 =	vsel vm1, $0x1, v0;
	vm1 =	vge.f32 v9, v25  }
0x98: {  	v10 =	vperm.xlane v2, v13;
	v9 =	vor.u32 v16, v15;
	v15 =	vsel vm1, $0x1, v0  }
0x99: {  	s22 =	sadd.s32 $0x100, s22;
	v16 =	vor.u32 v21, v20;
	[tilespmem:s19+$0x0] =	vst v12;
	v12 =	vperm.xlane v1, v9;
	v9 =	vor.u32 v15, v24  }
0x9a: {  	vm1 =	vge.f32 v6, v23  }
0x9b: {  	v6 =	vperm.xlane v1, v9;
	v15 =	vsel vm0, $0x1, v0;
	v9 =	vsel vm1, $0x1, v0  }
0x9c: {  	vm1 =	vge.f32 v7, v14;
	v7 =	vperm.xlane v2, v16;
	v8 =	vor.u32 v15, v8  }
0x9d: {  	[tilespmem:s20+$0x10] =	vst v12;
	v14 =	vsel vm1, $0x1, v0;
	vm1 =	vge.f32 v4, v10;
	v4 =	vperm.xlane v1, v8  }
0x9e: {  	[tilespmem:s20+$0x70] =	vst v6;
	v8 =	vperm.xlane v1, v19;
	v11 =	vor.u32 v14, v11;
	vm0 =	vge.f32 v5, v7  }
0x9f: {  	v9 =	vor.u32 v9, v22;
	v6 =	vperm.xlane v1, v11;
	v5 =	vsel vm0, $0x1, v0;
	[tilespmem:s20+$0xFFFFFFA0] =	vst v4  }
0xa0: {  	v9 =	vperm.xlane v1, v9;
	v7 =	vsel vm1, $0x1, v0;
	[tilespmem:s20+$0xFFFFFFC0] =	vst v8;
	v5 =	vor.u32 v5, v16  }
0xa1: {  	[tilespmem:s20+$0x60] =	vst v6;
	v6 =	vor.u32 v7, v13;
	v4 =	vperm.xlane v1, v5  }
0xa2: {  	[tilespmem:s20+$0x20] =	vst v9;
	v5 =	vperm.xlane v1, v6  }
0xa3: {  	[tilespmem:s20+$0xFFFFFF90] =	vst v4  }
0xa4: {  	[tilespmem:s20+$0xFFFFFFE0] =	vst v5  }
0xa5: {  	[hbm4b:s6+s2] =	stream.linear.scatter [tilespmem:s13], [sflag:$0x3], $0x4000, $0x38;
	[tilespmem:$0x10080] =	vst v63  }
0xa6: {  	_ =	swait.ge [sflag:s14], $0x4000  }
0xa7: {  	[sflag:s14] =	ssyncset.done $0x0  }
0xa8: {  	s19 =	simm.s32 $0x4100;
	[sflag:s14] =	ssyncadd.s32 $0xFFFFC000  }
0xa9: {  	v8 =	vld [tilespmem:s19+$0xFFFFFFB0]  }
0xaa: {  	v9 =	vld [tilespmem:s19+$0x70]  }
0xab: {  	v11 =	vld [tilespmem:s19+$0x40]  }
0xac: {  	v12 =	vld [tilespmem:s19+$0x0]  }
0xad: {  	v53 =	vld [tilespmem:s19+$0x30]  }
0xae: {  	v18 =	vld [tilespmem:s19+$0xFFFFFF80]  }
0xaf: {  	v21 =	vld [tilespmem:s19+$0xFFFFFFC0]  }
0xb0: {  	v10 =	vld [tilespmem:s19+$0x10]  }
0xb1: {  	v19 =	vld [tilespmem:s19+$0xFFFFFFD0];
	vm0 =	vge.f32 v8, v3;
	vm1 =	vge.f32 v9, v3  }
0xb2: {  	vm2 =	vge.f32 v11, v3;
	vm3 =	vge.f32 v53, v3;
	v14 =	vsel vm0, $0x4, v0  }
0xb3: {  	v4 =	vld [tilespmem:s19+$0xFFFFFFE0];
	v13 =	vsel vm1, $0x4, v0;
	vm0 =	vge.f32 v12, v3;
	vm1 =	vge.f32 v18, v3  }
0xb4: {  	v7 =	vsel vm2, $0x4, v0;
	vm2 =	vge.f32 v21, v3;
	v59 =	vsel vm3, $0x4, v0  }
0xb5: {  	v6 =	vld [tilespmem:s19+$0x20];
	v5 =	vor.u32 $0x1, v13;
	v17 =	vsel vm0, $0x4, v0;
	vm0 =	vge.f32 v10, v3  }
0xb6: {  	v22 =	vld [tilespmem:s19+$0xFFFFFFA0];
	v23 =	vsel vm1, $0x4, v0;
	vm1 =	vge.f32 v19, v3;
	v25 =	vor.u32 $0x1, v7  }
0xb7: {  	v26 =	vor.u32 $0x1, v14;
	v29 =	vsel vm2, $0x4, v0;
	v61 =	vor.u32 $0x1, v59  }
0xb8: {  	v20 =	vperm.xlane v2, v5;
	v16 =	vsel vm0, $0x4, v0;
	vm0 =	vge.f32 v4, v3  }
0xb9: {  	v24 =	vld [tilespmem:s19+$0xFFFFFFF0];
	v25 =	vperm.xlane v2, v25;
	v27 =	vsel vm1, $0x4, v0;
	v52 =	vor.u32 $0x1, v29  }
0xba: {  	vm1 =	vge.f32 v6, v3;
	v26 =	vperm.xlane v2, v26;
	v15 =	vsel vm0, $0x4, v0  }
0xbb: {  	v5 =	vld [tilespmem:s19+$0xFFFFFF90];
	vm0 =	vge.f32 v22, v3;
	v32 =	vsel vm1, $0x4, v0;
	v36 =	vor.u32 $0x1, v16  }
0xbc: {  	v51 =	vor.u32 $0x1, v27;
	v28 =	vsel vm0, $0x4, v0;
	vm0 =	vge.f32 v11, v25  }
0xbd: {  	v25 =	vperm.xlane v2, v52;
	vm1 =	vge.f32 v9, v20;
	v30 =	vsel vm0, $0x2, v0  }
0xbe: {  	v46 =	vor.u32 $0x1, v32;
	vm0 =	vge.f32 v24, v3;
	v30 =	vor.u32 v7, v30  }
0xbf: {  	v52 =	vor.u32 $0x1, v23;
	v31 =	vsel vm0, $0x4, v0;
	v33 =	vperm.xlane v2, v30  }
0xc0: {  	v35 =	vor.u32 $0x1, v28;
	v7 =	vld [tilespmem:s19+$0x60];
	vm2 =	vge.f32 v5, v3;
	v34 =	vor.u32 $0x1, v31  }
0xc1: {  	v34 =	vperm.xlane v2, v34;
	v20 =	vsel vm2, $0x4, v0;
	vm0 =	vge.f32 v11, v33;
	v11 =	vld [tilespmem:s19+$0x50]  }
0xc2: {  	v54 =	vperm.xlane v2, v35;
	v45 =	vor.u32 $0x1, v20;
	v37 =	vsel vm0, $0x1, v0  }
0xc3: {  	vm0 =	vge.f32 v24, v34;
	v35 =	vperm.xlane v2, v45;
	v30 =	vor.u32 v37, v30  }
0xc4: {  	v55 =	vsel vm0, $0x2, v0;
	vm0 =	vge.f32 v8, v26;
	v26 =	vperm.xlane v1, v30  }
0xc5: {  	v30 =	vperm.xlane v2, v36;
	v56 =	vsel vm0, $0x2, v0;
	vm0 =	vge.f32 v7, v3  }
0xc6: {  	v31 =	vor.u32 v31, v55;
	v14 =	vor.u32 v14, v56;
	vm2 =	vge.f32 v11, v3  }
0xc7: {  	v38 =	vsel vm0, $0x4, v0;
	v36 =	vperm.xlane v2, v14;
	v57 =	vsel vm2, $0x4, v0  }
0xc8: {  	vm0 =	vge.f32 v22, v54;
	v54 =	vor.u32 $0x1, v15;
	v58 =	vor.u32 $0x1, v57  }
0xc9: {  	vm2 =	vge.f32 v8, v36;
	v8 =	vor.u32 $0x1, v38;
	v34 =	vperm.xlane v2, v58  }
0xca: {  	v39 =	vsel vm0, $0x2, v0;
	v40 =	vperm.xlane v2, v8;
	v60 =	vsel vm2, $0x1, v0  }
0xcb: {  	v8 =	vor.u32 v28, v39;
	v14 =	vor.u32 v60, v14;
	vm0 =	vge.f32 v11, v34  }
0xcc: {  	v39 =	vperm.xlane v2, v8;
	v34 =	vperm.xlane v2, v61;
	v62 =	vsel vm0, $0x2, v0  }
0xcd: {  	v44 =	vperm.xlane v1, v14;
	v14 =	vperm.xlane v2, v31;
	v28 =	vor.u32 v57, v62  }
0xce: {  	vm0 =	vge.f32 v7, v40;
	vm2 =	vge.f32 v53, v34;
	v63 =	vperm.xlane v2, v28  }
0xcf: {  	v40 =	vsel vm0, $0x2, v0;
	v47 =	vsel vm2, $0x2, v0;
	vm2 =	vge.f32 v24, v14  }
0xd0: {  	v48 =	vor.u32 v59, v47;
	v49 =	vsel vm2, $0x1, v0;
	vm0 =	vge.f32 v11, v63  }
0xd1: {  	v11 =	vor.u32 v38, v40;
	v36 =	vperm.xlane v2, v48;
	v14 =	vsel vm0, $0x1, v0  }
0xd2: {  	vm0 =	vge.f32 v21, v25;
	v25 =	vor.u32 v49, v31;
	v31 =	vperm.xlane v2, v51  }
0xd3: {  	v28 =	vor.u32 v14, v28;
	v14 =	vperm.xlane v2, v11;
	v50 =	vsel vm0, $0x2, v0  }
0xd4: {  	vm0 =	vge.f32 v53, v36;
	v25 =	vperm.xlane v1, v25;
	v53 =	vperm.xlane v2, v52  }
0xd5: {  	v28 =	vperm.xlane v1, v28;
	v33 =	vsel vm0, $0x1, v0;
	vm0 =	vge.f32 v22, v39  }
0xd6: {  	vm2 =	vge.f32 v19, v31;
	v22 =	vperm.xlane v2, v46;
	v29 =	vor.u32 v29, v50  }
0xd7: {  	v24 =	vor.u32 v33, v48;
	vm3 =	vge.f32 v18, v53;
	v55 =	vsel vm2, $0x2, v0  }
0xd8: {  	v56 =	vsel vm3, $0x2, v0;
	v27 =	vor.u32 v27, v55;
	vm2 =	vge.f32 v6, v22  }
0xd9: {  	v22 =	vor.u32 v23, v56;
	v23 =	vperm.xlane v2, v29;
	v33 =	vperm.xlane v2, v27  }
0xda: {  	v57 =	vor.u32 $0x1, v17;
	v24 =	vperm.xlane v1, v24;
	v34 =	vperm.xlane v2, v22  }
0xdb: {  	v58 =	vsel vm2, $0x2, v0;
	vm2 =	vge.f32 v21, v23;
	vm3 =	vge.f32 v19, v33  }
0xdc: {  	v21 =	vperm.xlane v2, v57;
	vm4 =	vge.f32 v18, v34;
	v18 =	vsel vm3, $0x1, v0  }
0xdd: {  	v23 =	vsel vm2, $0x1, v0;
	vm3 =	vge.f32 v10, v30;
	v19 =	vsel vm4, $0x1, v0  }
0xde: {  	v18 =	vor.u32 v18, v27;
	vm2 =	vge.f32 v12, v21;
	v21 =	vperm.xlane v2, v54  }
0xdf: {  	v30 =	vsel vm3, $0x2, v0;
	v22 =	vor.u32 v19, v22;
	v19 =	vor.u32 v23, v29  }
0xe0: {  	v18 =	vperm.xlane v1, v18;
	v60 =	vsel vm2, $0x2, v0;
	vm2 =	vge.f32 v5, v35  }
0xe1: {  	s19 =	simm.s32 $0xC100;
	v16 =	vor.u32 v16, v30;
	v59 =	vperm.xlane v1, v22;
	v17 =	vor.u32 v17, v60  }
0xe2: {  	[tilespmem:s19+$0x40] =	vst v26;
	v22 =	vor.u32 v32, v58;
	v61 =	vsel vm2, $0x2, v0;
	v29 =	vperm.xlane v2, v17  }
0xe3: {  	[tilespmem:s19+$0xFFFFFFB0] =	vst v44;
	vm2 =	vge.f32 v4, v21;
	v21 =	vsel vm1, $0x2, v0;
	v23 =	vperm.xlane v2, v22  }
0xe4: {  	[tilespmem:s19+$0xFFFFFFF0] =	vst v25;
	v21 =	vor.u32 v13, v21;
	vm1 =	vge.f32 v12, v29;
	v12 =	vperm.xlane v2, v16  }
0xe5: {  	[tilespmem:s19+$0x50] =	vst v28;
	v13 =	vsel vm2, $0x2, v0;
	v63 =	vperm.xlane v2, v21;
	v62 =	vsel vm1, $0x1, v0  }
0xe6: {  	[tilespmem:s19+$0x30] =	vst v24;
	v13 =	vor.u32 v15, v13;
	v15 =	vor.u32 v62, v17;
	vm1 =	vge.f32 v10, v12  }
0xe7: {  	[tilespmem:s19+$0xFFFFFFD0] =	vst v18;
	v12 =	vperm.xlane v1, v15;
	v15 =	vsel vm1, $0x1, v0;
	vm1 =	vge.f32 v9, v63  }
0xe8: {  	[tilespmem:s19+$0xFFFFFF80] =	vst v59;
	v10 =	vperm.xlane v2, v13;
	v9 =	vor.u32 v15, v16;
	v15 =	vsel vm1, $0x1, v0  }
0xe9: {  	s21 =	simm.s32 $0x0;
	s22 =	simm.s32 $0x4200;
	s20 =	simm.s32 $0xC100;
	v16 =	vor.u32 v20, v61;
	[tilespmem:s19+$0x0] =	vst v12;
	v12 =	vperm.xlane v1, v9;
	v9 =	vor.u32 v15, v21  }
.LBB2_4:
0xea: {  	v25 =	vld [tilespmem:s22+$0xFFFFFFB0];
	s21 =	sadd.s32 $0x100, s21;
	v15 =	vsel vm0, $0x1, v0;
	vm0 =	vge.f32 v6, v23;
	v6 =	vperm.xlane v1, v9;
	s19 =	sadd.s32 $0x100, s19  }
0xeb: {  	v9 =	vld [tilespmem:s22+$0x70];
	p0 =	slt.u32 s21, $0x3F00;
	v8 =	vor.u32 v15, v8;
	[tilespmem:s20+$0x10] =	vst v12;
	v12 =	vsel vm0, $0x1, v0;
	vm0 =	vge.f32 v7, v14  }
0xec: {  	v7 =	vperm.xlane v2, v16;
	v14 =	vld [tilespmem:s22+$0x40];
	v15 =	vor.u32 v12, v22;
	v17 =	vsel vm0, $0x1, v0;
	[tilespmem:s20+$0x70] =	vst v6  }
0xed: {  	vm0 =	vge.f32 v4, v10;
	v12 =	vld [tilespmem:s22+$0x0];
	v4 =	vperm.xlane v1, v15;
	v6 =	vor.u32 v17, v11  }
0xee: {  	v8 =	vperm.xlane v1, v8;
	v11 =	vsel vm0, $0x1, v0;
	v10 =	vld [tilespmem:s22+$0x10];
	v6 =	vperm.xlane v1, v6  }
0xef: {  	vm0 =	vge.f32 v5, v7;
	v5 =	vperm.xlane v1, v19;
	v7 =	vor.u32 v11, v13;
	v15 =	vld [tilespmem:s22+$0xFFFFFF80];
	[tilespmem:s20+$0x20] =	vst v4  }
0xf0: {  	v11 =	vsel vm0, $0x1, v0;
	vm1 =	vge.f32 v25, v3;
	v4 =	vld [tilespmem:s22+$0xFFFFFFE0];
	vm2 =	vge.f32 v9, v3;
	[tilespmem:s20+$0x60] =	vst v6  }
0xf1: {  	v28 =	vsel vm1, $0x4, v0;
	v6 =	vor.u32 v11, v16;
	v19 =	vld [tilespmem:s22+$0xFFFFFFD0];
	v13 =	vsel vm2, $0x4, v0;
	[tilespmem:s20+$0xFFFFFFA0] =	vst v8  }
0xf2: {  	v6 =	vperm.xlane v1, v6;
	v20 =	vld [tilespmem:s22+$0xFFFFFFC0];
	vm0 =	vge.f32 v12, v3;
	v8 =	vor.u32 $0x1, v13;
	[tilespmem:s20+$0xFFFFFFC0] =	vst v5  }
0xf3: {  	v23 =	vld [tilespmem:s22+$0xFFFFFFA0];
	v17 =	vsel vm0, $0x4, v0;
	vm0 =	vge.f32 v10, v3;
	v8 =	vperm.xlane v2, v8  }
0xf4: {  	vm1 =	vge.f32 v15, v3;
	v5 =	vld [tilespmem:s22+$0xFFFFFF90];
	v16 =	vsel vm0, $0x4, v0;
	vm0 =	vge.f32 v14, v3;
	[tilespmem:s20+$0xFFFFFF90] =	vst v6  }
0xf5: {  	v7 =	vperm.xlane v1, v7;
	vm2 =	vge.f32 v4, v3;
	v6 =	vld [tilespmem:s22+$0x20];
	v11 =	vsel vm0, $0x4, v0  }
0xf6: {  	v22 =	vsel vm1, $0x4, v0;
	vm0 =	vge.f32 v19, v3;
	v29 =	vld [tilespmem:s22+$0xFFFFFFF0];
	v21 =	vor.u32 $0x1, v11  }
0xf7: {  	v27 =	vor.u32 $0x1, v28;
	v18 =	vsel vm2, $0x4, v0;
	v21 =	vperm.xlane v2, v21;
	[tilespmem:s20+$0xFFFFFFE0] =	vst v7;
	s20 =	smov.u32 s19  }
0xf8: {  	vm2 =	vge.f32 v20, v3;
	v26 =	vsel vm0, $0x4, v0;
	vm1 =	vge.f32 v23, v3  }
0xf9: {  	v31 =	vsel vm2, $0x4, v0;
	v30 =	vsel vm1, $0x4, v0;
	vm0 =	vge.f32 v14, v21  }
0xfa: {  	vm2 =	vge.f32 v5, v3;
	v7 =	vor.u32 $0x1, v31;
	v21 =	vsel vm0, $0x2, v0  }
0xfb: {  	vm1 =	vge.f32 v6, v3;
	vm0 =	vge.f32 v29, v3;
	v11 =	vor.u32 v11, v21  }
0xfc: {  	v24 =	vsel vm1, $0x4, v0;
	v32 =	vsel vm0, $0x4, v0;
	v21 =	vperm.xlane v2, v11  }
0xfd: {  	v27 =	vperm.xlane v2, v27;
	v33 =	vperm.xlane v2, v7;
	v34 =	vor.u32 $0x1, v32;
	v7 =	vld [tilespmem:s22+$0x60]  }
0xfe: {  	vm1 =	vge.f32 v9, v8;
	v34 =	vperm.xlane v2, v34;
	v35 =	vld [tilespmem:s22+$0x30];
	vm0 =	vge.f32 v14, v21  }
0xff: {  	v8 =	vor.u32 $0x1, v30;
	v14 =	vor.u32 $0x1, v16;
	v36 =	vsel vm0, $0x1, v0;
	v37 =	vld [tilespmem:s22+$0x50]  }
0x100: {  	v21 =	vsel vm2, $0x4, v0;
	vm0 =	vge.f32 v29, v34;
	v11 =	vor.u32 v36, v11  }
0x101: {  	v8 =	vperm.xlane v2, v8;
	v34 =	vsel vm0, $0x2, v0;
	v11 =	vperm.xlane v1, v11  }
0x102: {  	vm0 =	vge.f32 v25, v27;
	v27 =	vperm.xlane v2, v14;
	vm2 =	vge.f32 v7, v3  }
0x103: {  	v14 =	vsel vm0, $0x2, v0;
	vm0 =	vge.f32 v35, v3;
	[tilespmem:s19+$0x40] =	vst v11;
	v11 =	vsel vm2, $0x4, v0  }
0x104: {  	v14 =	vor.u32 v28, v14;
	v28 =	vsel vm0, $0x4, v0;
	vm0 =	vge.f32 v37, v3  }
0x105: {  	vm2 =	vge.f32 v23, v8;
	v8 =	vperm.xlane v2, v14;
	v36 =	vsel vm0, $0x4, v0  }
0x106: {  	v38 =	vsel vm2, $0x2, v0;
	v40 =	vor.u32 $0x1, v11;
	v39 =	vor.u32 $0x1, v36  }
0x107: {  	vm0 =	vge.f32 v25, v8;
	v25 =	vperm.xlane v2, v39;
	v39 =	vperm.xlane v2, v40  }
0x108: {  	v8 =	vor.u32 v30, v38;
	v38 =	vor.u32 $0x1, v28;
	v30 =	vsel vm0, $0x1, v0  }
0x109: {  	v40 =	vperm.xlane v2, v8;
	v14 =	vor.u32 v30, v14;
	vm0 =	vge.f32 v37, v25  }
0x10a: {  	v14 =	vperm.xlane v1, v14;
	v25 =	vperm.xlane v2, v38;
	v30 =	vsel vm0, $0x2, v0  }
0x10b: {  	v32 =	vor.u32 v32, v34;
	vm0 =	vge.f32 v7, v39;
	v30 =	vor.u32 v36, v30  }
0x10c: {  	v36 =	vsel vm0, $0x2, v0;
	[tilespmem:s19+$0xFFFFFFB0] =	vst v14;
	v14 =	vperm.xlane v2, v32;
	v34 =	vperm.xlane v2, v30  }
0x10d: {  	v38 =	vor.u32 $0x1, v21;
	v39 =	vor.u32 $0x1, v24;
	vm0 =	vge.f32 v35, v25  }
0x10e: {  	v25 =	vsel vm0, $0x2, v0;
	v11 =	vor.u32 v11, v36;
	vm0 =	vge.f32 v37, v34  }
0x10f: {  	v25 =	vor.u32 v28, v25;
	vm2 =	vge.f32 v29, v14;
	v14 =	vsel vm0, $0x1, v0  }
0x110: {  	v28 =	vperm.xlane v2, v25;
	v29 =	vor.u32 v14, v30;
	v14 =	vperm.xlane v2, v11  }
0x111: {  	vm0 =	vge.f32 v20, v33;
	v30 =	vsel vm2, $0x1, v0;
	v29 =	vperm.xlane v1, v29  }
0x112: {  	v33 =	vsel vm0, $0x2, v0;
	vm0 =	vge.f32 v35, v28;
	v30 =	vor.u32 v30, v32  }
0x113: {  	v28 =	vor.u32 $0x1, v26;
	v32 =	vsel vm0, $0x1, v0;
	v30 =	vperm.xlane v1, v30;
	[tilespmem:s19+$0x50] =	vst v29  }
0x114: {  	v28 =	vperm.xlane v2, v28;
	v25 =	vor.u32 v32, v25;
	v29 =	vor.u32 $0x1, v22  }
0x115: {  	vm0 =	vge.f32 v23, v40;
	v23 =	vperm.xlane v1, v25;
	v29 =	vperm.xlane v2, v29;
	[tilespmem:s19+$0xFFFFFFF0] =	vst v30  }
0x116: {  	vm2 =	vge.f32 v19, v28;
	v25 =	vor.u32 $0x1, v18;
	v28 =	vperm.xlane v2, v39  }
0x117: {  	v30 =	vsel vm2, $0x2, v0;
	vm3 =	vge.f32 v15, v29;
	v29 =	vor.u32 v31, v33;
	[tilespmem:s19+$0x30] =	vst v23  }
0x118: {  	vm2 =	vge.f32 v6, v28;
	v26 =	vor.u32 v26, v30;
	v23 =	vsel vm3, $0x2, v0  }
0x119: {  	v28 =	vperm.xlane v2, v26;
	v22 =	vor.u32 v22, v23;
	v23 =	vperm.xlane v2, v29  }
0x11a: {  	v31 =	vor.u32 $0x1, v17;
	v32 =	vsel vm2, $0x2, v0;
	v30 =	vperm.xlane v2, v22  }
0x11b: {  	v33 =	vperm.xlane v2, v38;
	vm3 =	vge.f32 v19, v28;
	vm2 =	vge.f32 v20, v23  }
0x11c: {  	v20 =	vperm.xlane v2, v31;
	vm4 =	vge.f32 v15, v30;
	v15 =	vsel vm3, $0x1, v0  }
0x11d: {  	v23 =	vsel vm2, $0x1, v0;
	v19 =	vsel vm4, $0x1, v0;
	v15 =	vor.u32 v15, v26  }
0x11e: {  	v22 =	vor.u32 v19, v22;
	v19 =	vor.u32 v23, v29;
	v15 =	vperm.xlane v1, v15  }
0x11f: {  	vm2 =	vge.f32 v12, v20;
	v26 =	vperm.xlane v1, v22;
	v22 =	vor.u32 v24, v32  }
0x120: {  	v20 =	vsel vm2, $0x2, v0;
	v23 =	vperm.xlane v2, v22;
	[tilespmem:s19+$0xFFFFFFD0] =	vst v15;
	v15 =	vperm.xlane v2, v25  }
0x121: {  	vm3 =	vge.f32 v10, v27;
	vm2 =	vge.f32 v5, v33;
	v17 =	vor.u32 v17, v20;
	[tilespmem:s19+$0xFFFFFF80] =	vst v26  }
0x122: {  	v20 =	vsel vm2, $0x2, v0;
	v24 =	vperm.xlane v2, v17;
	v25 =	vsel vm3, $0x2, v0  }
0x123: {  	vm2 =	vge.f32 v4, v15;
	v15 =	vor.u32 v16, v25;
	v16 =	vsel vm1, $0x2, v0  }
0x124: {  	vm1 =	vge.f32 v12, v24;
	v12 =	vperm.xlane v2, v15;
	v24 =	vor.u32 v13, v16  }
.Ltmp1:
0x125: {  	v13 =	vsel vm2, $0x2, v0;
	v16 =	vsel vm1, $0x1, v0;
	v25 =	vperm.xlane v2, v24;
	(pc) =	sbr.rel @p0 .LBB2_4-.Ltmp1, $4  }
0x126: {  	v13 =	vor.u32 v18, v13;
	v16 =	vor.u32 v16, v17;
	vm1 =	vge.f32 v10, v12  }
0x127: {  	v12 =	vperm.xlane v1, v16;
	v16 =	vsel vm1, $0x1, v0;
	vm1 =	vge.f32 v9, v25  }
0x128: {  	v10 =	vperm.xlane v2, v13;
	v9 =	vor.u32 v16, v15;
	v15 =	vsel vm1, $0x1, v0  }
0x129: {  	s22 =	sadd.s32 $0x100, s22;
	v16 =	vor.u32 v21, v20;
	[tilespmem:s19+$0x0] =	vst v12;
	v12 =	vperm.xlane v1, v9;
	v9 =	vor.u32 v15, v24  }
0x12a: {  	vm1 =	vge.f32 v6, v23  }
0x12b: {  	vm2 =	vge.f32 v7, v14;
	v60 =	vperm.xlane v1, v9;
	v2 =	vperm.xlane v2, v16  }
0x12c: {  	v61 =	vsel vm0, $0x1, v0;
	vm15 =	vge.f32 v4, v10;
	v3 =	vsel vm1, $0x1, v0  }
0x12d: {  	v63 =	vperm.xlane v1, v19;
	v59 =	vsel vm2, $0x1, v0;
	[tilespmem:s20+$0x10] =	vst v12;
	v3 =	vor.u32 v3, v22  }
0x12e: {  	v8 =	vor.u32 v61, v8;
	[tilespmem:s20+$0x70] =	vst v60;
	vm14 =	vge.f32 v5, v2;
	v3 =	vperm.xlane v1, v3  }
0x12f: {  	v6 =	vor.u32 v59, v11;
	v62 =	vperm.xlane v1, v8;
	[tilespmem:s20+$0xFFFFFFC0] =	vst v63;
	v2 =	vsel vm14, $0x1, v0  }
0x130: {  	v6 =	vperm.xlane v1, v6;
	v2 =	vor.u32 v2, v16;
	[tilespmem:s20+$0x20] =	vst v3;
	v3 =	vsel vm15, $0x1, v0  }
0x131: {  	[tilespmem:s20+$0xFFFFFFA0] =	vst v62;
	v2 =	vperm.xlane v1, v2;
	v3 =	vor.u32 v3, v13  }
0x132: {  	[tilespmem:s20+$0x60] =	vst v6;
	v1 =	vperm.xlane v1, v3  }
0x133: {  	[tilespmem:s20+$0xFFFFFF90] =	vst v2  }
0x134: {  	s18 =	sadd.s32 $0x1, s18;
	[tilespmem:s20+$0xFFFFFFE0] =	vst v1  }
0x135: {  	[hbm4b:s7+s2] =	stream.linear.scatter [tilespmem:s15], [sflag:$0x4], $0x4000, $0x38;
	[tilespmem:$0x10080] =	vst v63  }
0x136: {  	p0 =	sne.s32 s18, s8;
	_ =	swait.ge [sflag:s16], $0x4000  }
.Ltmp2:
0x137: {  	[sflag:s16] =	ssyncset.done $0x0;
	(pc) =	sbr.rel @p0 .LBB2_1-.Ltmp2, $4  }
0x138: {  	[sflag:s16] =	ssyncadd.s32 $0xFFFFC000  }
0x139: {  	_ =	swait.ge [sflag:s17], $0x4000  }
0x13a: {  	[sflag:s17] =	ssyncset.done $0x0  }
0x13b: {  	[sflag:s17] =	ssyncadd.s32 $0xFFFFC000  }
0x13c: {  	_ =	sfence.sel $0x180000  }
0x13d: {  	[bflag:$0x0] =	sbarrier.arrive $0xFFFF  }
0x13e: {  	p0 =	sne.s32 s1, $0x0;
	_ =	strace $0x90000047  }
0x13f: {  	s0 =	sadd.s32 @!p0 $0x100000, s0;
	[bflag:$0x2] =	sbarrier.arrive $0xFFFF  }
0x140: {  	[sflag:s0] =	ssyncadd.tile.s32 @!p0 $0x1;
	_ =	shalt  }
.Lfunc_end2:
_tile_overlayer_lowered:
.L_overlay_start_2:
0x141: {  	(tag) =	ssettag $0x2  }
0x142: {  	s0 =	rddreg [dreg:$0x0];
	s2 =	stileid.u32  }
0x143: {  	s1 =	rddreg [dreg:$0x1];
	p0 =	sne.s32 s2, $0x0  }
0x144: {  	s3 =	rddreg [dreg:$0x2];
	[bflag:$0x3] =	sbarrier.arrive $0xFFFF;
	s2 =	simm.s32 @!p0 $0x1C05  }
0x145: {  	[timem:s3], [sflag:s2] =	dma.local @!p0 [hbm:s0], s1  }
0x146: {  	s0 =	simm.s32 @!p0 $0x5  }
0x147: {  	_ =	swait.ge @!p0 [sflag:s0], s1  }
0x148: {  	s1 =	ssub.s32 @!p0 $0x0, s1;
	[sflag:s0] =	ssyncset.done @!p0 $0x0  }
0x149: {  	[sflag:s0] =	ssyncadd.s32 @!p0 s1  }
0x14a: {  	[bflag:$0x3] =	sbarrier.arrive $0xFFFF  }
0x14b: {  	_ =	shalt  }

</sc_bundles>
